<compile_context>
chip_gen: v7x
topology: tpu7x:2x2x1
jax: 0.10.2.dev20260603
libtpu: 0.0.44.dev20260713+nightly
codegen_flags: <defaults>
</compile_context>

<pallas_src>
import functools

import jax
import jax.numpy as jnp
from jax import lax
from jax.experimental import pallas as pl
from jax.experimental.pallas import tpu as pltpu
from jax.experimental.pallas import tpu_sc as plsc

N = 10000
E = 320000
D = 128
H_BOND = 32

_NC = 2
_NS = 16
_NW = _NC * _NS
_EPW = E // _NW
_CH = 80
_NCH = _EPW // _CH
_NG = _CH // 16


def _sc_edge_body(a_hbm, b_hbm, row_hbm, col_hbm, w4_hbm, b4_hbm, zeros_hbm,
                  bond_hbm, part_hbm,
                  row_v, col_v, bufa, bufb, w4_v, b4_v, bond_v, w_v, deg_sh,
                  sema, semb):
    c = lax.axis_index("c")
    s = lax.axis_index("s")
    wid = s * _NC + c
    base = wid * _EPW

    @pl.when(s == 0)
    def _():
        pltpu.sync_copy(zeros_hbm, deg_sh)

    pltpu.sync_copy(w4_hbm, w4_v)
    pltpu.sync_copy(b4_hbm, b4_v)
    plsc.subcore_barrier()

    def chunk(i, carry):
        off = i * _CH
        pltpu.sync_copy(row_hbm.at[pl.ds(base + off, _CH)], row_v)
        pltpu.sync_copy(col_hbm.at[pl.ds(base + off, _CH)], col_v)
        cpa = pltpu.async_copy(a_hbm.at[row_v], bufa, sema)
        cpb = pltpu.async_copy(b_hbm.at[col_v], bufb, semb)
        cpa.wait()
        cpb.wait()

        lanes = lax.iota(jnp.int32, 16)
        b4s = [b4_v[j] for j in range(4)]
        acc0 = [b4s[j] for j in range(4)]
        accs = []
        for g in range(_NG):
            accs.extend(acc0)

        def kstep(kk, accs):
            accs = list(accs)
            w4s = [w4_v[j, kk] for j in range(4)]
            kkv = jnp.full((16,), 0, jnp.int32) + kk
            for g in range(_NG):
                e = g * 16 + lanes
                av = plsc.load_gather(bufa, [e, kkv])
                bv = plsc.load_gather(bufb, [e, kkv])
                sv = jnp.maximum(av + bv, 0.0)
                for j in range(4):
                    accs[g * 4 + j] = accs[g * 4 + j] + w4s[j] * sv
            return tuple(accs)

        accs = lax.fori_loop(0, H_BOND, kstep, tuple(accs))

        for g in range(_NG):
            l0, l1, l2, l3 = accs[g * 4:g * 4 + 4]
            m = jnp.maximum(jnp.maximum(l0, l1), jnp.maximum(l2, l3))
            e0 = jnp.exp(l0 - m)
            e1 = jnp.exp(l1 - m)
            e2 = jnp.exp(l2 - m)
            e3 = jnp.exp(l3 - m)
            inv = 1.0 / (e0 + e1 + e2 + e3)
            bond_v[0, pl.ds(g * 16, 16)] = e0 * inv
            bond_v[1, pl.ds(g * 16, 16)] = e1 * inv
            bond_v[2, pl.ds(g * 16, 16)] = e2 * inv
            bond_v[3, pl.ds(g * 16, 16)] = e3 * inv
            w_v[pl.ds(g * 16, 16)] = (e0 + 2.0 * e1 + 3.0 * e2 + 1.5 * e3) * inv

        for j in range(4):
            pltpu.sync_copy(bond_v.at[j], bond_hbm.at[j, pl.ds(base + off, _CH)])
        pltpu.sync_copy(w_v, deg_sh.at[row_v], add=True)
        return carry

    lax.fori_loop(0, _NCH, chunk, 0)

    plsc.subcore_barrier()

    @pl.when(s == 0)
    def _():
        pltpu.sync_copy(deg_sh, part_hbm.at[c])


_sc_edge = functools.partial(
    pl.kernel,
    out_type=(jax.ShapeDtypeStruct((4, E), jnp.float32),
              jax.ShapeDtypeStruct((_NC, N), jnp.float32)),
    mesh=plsc.VectorSubcoreMesh(core_axis_name="c", subcore_axis_name="s"),
    scratch_types=[
        pltpu.VMEM((_CH,), jnp.int32),
        pltpu.VMEM((_CH,), jnp.int32),
        pltpu.VMEM((_CH, H_BOND), jnp.float32),
        pltpu.VMEM((_CH, H_BOND), jnp.float32),
        pltpu.VMEM((4, H_BOND, 16), jnp.float32),
        pltpu.VMEM((4, 16), jnp.float32),
        pltpu.VMEM((4, _CH), jnp.float32),
        pltpu.VMEM((_CH,), jnp.float32),
        pltpu.VMEM_SHARED((N,), jnp.float32),
        pltpu.SemaphoreType.DMA,
        pltpu.SemaphoreType.DMA,
    ],
    compiler_params=pltpu.CompilerParams(use_tc_tiling_on_sc=False,
                                         needs_layout_passes=False),
)(_sc_edge_body)


def _node_dense_body(x_ref, w1t_ref, b1_ref, w2t_ref, b2_ref,
                     w3at_ref, w3bt_ref, b3_ref,
                     val_ref, a_ref, b_ref):
    x = x_ref[...]
    h = jnp.maximum(
        jnp.dot(x, w1t_ref[...], preferred_element_type=jnp.float32)
        + b1_ref[...], 0.0)
    lv = jnp.dot(h, w2t_ref[...], preferred_element_type=jnp.float32) + b2_ref[...]
    m = jnp.max(lv, axis=-1, keepdims=True)
    e = jnp.exp(lv - m)
    val_ref[...] = e / jnp.sum(e, axis=-1, keepdims=True)
    a_ref[...] = jnp.dot(x, w3at_ref[...], preferred_element_type=jnp.float32) + b3_ref[...]
    b_ref[...] = jnp.dot(x, w3bt_ref[...], preferred_element_type=jnp.float32)


def _node_dense(x, W1t, b1, W2t, b2, W3at, W3bt, b3):
    return pl.pallas_call(
        _node_dense_body,
        out_shape=(
            jax.ShapeDtypeStruct((N, 8), jnp.float32),
            jax.ShapeDtypeStruct((N, H_BOND), jnp.float32),
            jax.ShapeDtypeStruct((N, H_BOND), jnp.float32),
        ),
    )(x, W1t, b1, W2t, b2, W3at, W3bt, b3)


def _final_body(val_ref, deg2_ref, out_ref):
    v = val_ref[...]
    m = jnp.max(v, axis=1, keepdims=True)
    idx = lax.broadcasted_iota(jnp.int32, (N, 8), 1).astype(jnp.float32)
    pv = jnp.min(jnp.where(v == m, idx, 8.0), axis=1, keepdims=True) + 1.0
    deg = deg2_ref[:, 0:1] + deg2_ref[:, 1:2]
    diff = deg - pv
    out_ref[0, 0] = jnp.sum(diff * diff) * (1.0 / N)


def _final(valences, deg2t):
    return pl.pallas_call(
        _final_body,
        out_specs=pl.BlockSpec(memory_space=pltpu.SMEM),
        out_shape=jax.ShapeDtypeStruct((1, 1), jnp.float32),
    )(valences, deg2t)


def kernel(node_features, edge_index, W1, b1, W2, b2, W3, b3, W4, b4):
    x = node_features
    row = edge_index[0]
    col = edge_index[1]
    W3a = W3[:, :D]
    W3b = W3[:, D:]

    valences, A, B = _node_dense(
        x, W1.T, b1.reshape(1, 32), W2.T, b2.reshape(1, 8),
        W3a.T, W3b.T, b3.reshape(1, H_BOND))

    w4bc = jnp.broadcast_to(W4[:, :, None], (4, H_BOND, 16))
    b4bc = jnp.broadcast_to(b4[:, None], (4, 16))

    bond_t, part = _sc_edge(A, B, row, col, w4bc, b4bc,
                            jnp.zeros((N,), jnp.float32))

    bond_types = bond_t.T
    deg2 = part.T

    violation = _final(valences, deg2)[0, 0]
    return (violation, valences, bond_types)

# --- scband reference (transcript-rebuilt; emitter-appended) ---
"""Pipeline reference for scband-biochemical-constraint-layer-9509057593392 (READ-ONLY COPY).

The authoritative reference and input builder live on the scoring server;
editing this copy changes nothing except your own understanding.
"""

import jax, jax.numpy as jnp
import numpy as np

N = 10000
E = 320000
D = 128

def setup_inputs(seed: int = 0) -> dict:
    key = jax.random.key(seed)
    ks = jax.random.split(key, 12)
    node_features = jax.random.normal(ks[0], (N, D), dtype=jnp.float32)
    edge_index = jax.random.randint(ks[1], (2, E), 0, N, dtype=jnp.int32)
    # valence_predictor: Linear(D,32) -> ReLU -> Linear(32,8) -> Softmax
    W1 = jax.random.normal(ks[2], (32, D), dtype=jnp.float32) * (1.0 / np.sqrt(D))
    b1 = jnp.zeros((32,), dtype=jnp.float32)
    W2 = jax.random.normal(ks[3], (8, 32), dtype=jnp.float32) * (1.0 / np.sqrt(32))
    b2 = jnp.zeros((8,), dtype=jnp.float32)
    # bond_predictor: Linear(2D,32) -> ReLU -> Linear(32,4) -> Softmax
    W3 = jax.random.normal(ks[4], (32, 2 * D), dtype=jnp.float32) * (1.0 / np.sqrt(2 * D))
    b3 = jnp.zeros((32,), dtype=jnp.float32)
    W4 = jax.random.normal(ks[5], (4, 32), dtype=jnp.float32) * (1.0 / np.sqrt(32))
    b4 = jnp.zeros((4,), dtype=jnp.float32)
    return {"node_features": node_features, "edge_index": edge_index,
            "W1": W1, "b1": b1, "W2": W2, "b2": b2,
            "W3": W3, "b3": b3, "W4": W4, "b4": b4}

def reference(node_features, edge_index, W1, b1, W2, b2, W3, b3, W4, b4):
    # valence prediction per node
    h = jax.nn.relu(node_features @ W1.T + b1)
    valences = jax.nn.softmax(h @ W2.T + b2, axis=-1)
    row = edge_index[0]
    col = edge_index[1]
    # gather endpoint features per edge
    edge_features = jnp.concatenate([node_features[row], node_features[col]], axis=-1)
    hb = jax.nn.relu(edge_features @ W3.T + b3)
    bond_types = jax.nn.softmax(hb @ W4.T + b4, axis=-1)
    # scatter-add weighted bond orders into node degrees
    w = bond_types[:, 0] + 2.0 * bond_types[:, 1] + 3.0 * bond_types[:, 2] + 1.5 * bond_types[:, 3]
    node_degrees = jnp.zeros((node_features.shape[0],), dtype=node_features.dtype).at[row].add(w)
    predicted_valence = jnp.argmax(valences, axis=-1) + 1
    valence_violation = jnp.mean((node_degrees - predicted_valence.astype(jnp.float32)) ** 2)
    return (valence_violation, valences, bond_types)

if __name__ == "__main__":
    import jax
    _d = setup_inputs()
    print(jax.jit(kernel)(*tuple(_d.values())))

</pallas_src>

<mosaic_0001>
#map = affine_map<(d0, d1) -> (0, 0)>
#map1 = affine_map<(d0, d1) -> (0)>
#map2 = affine_map<(d0, d1) -> (0, 0, 0)>
module attributes {stable_mosaic.version = 14 : i64} {
  func.func @_sc_edge_body(%arg0: i32, %arg1: i32, %arg2: memref<10000x32xf32, #tpu.memory_space<hbm>>, %arg3: memref<10000x32xf32, #tpu.memory_space<hbm>>, %arg4: memref<320000xi32, #tpu.memory_space<hbm>>, %arg5: memref<320000xi32, #tpu.memory_space<hbm>>, %arg6: memref<4x32x16xf32, #tpu.memory_space<hbm>>, %arg7: memref<4x16xf32, #tpu.memory_space<hbm>>, %arg8: memref<10000xf32, #tpu.memory_space<hbm>>, %arg9: memref<4x320000xf32, #tpu.memory_space<hbm>>, %arg10: memref<2x10000xf32, #tpu.memory_space<hbm>>, %arg11: memref<80xi32, #tpu.memory_space<vmem>>, %arg12: memref<80xi32, #tpu.memory_space<vmem>>, %arg13: memref<80x32xf32, #tpu.memory_space<vmem>>, %arg14: memref<80x32xf32, #tpu.memory_space<vmem>>, %arg15: memref<4x32x16xf32, #tpu.memory_space<vmem>>, %arg16: memref<4x16xf32, #tpu.memory_space<vmem>>, %arg17: memref<4x80xf32, #tpu.memory_space<vmem>>, %arg18: memref<80xf32, #tpu.memory_space<vmem>>, %arg19: memref<10000xf32, #tpu.memory_space<vmem_shared>>, %arg20: memref<!tpu.dma_semaphore, #tpu.memory_space<semaphore_mem>>, %arg21: memref<!tpu.dma_semaphore, #tpu.memory_space<semaphore_mem>>) attributes {dimension_semantics = [#tpu.dimension_semantics<core_parallel>, #tpu.dimension_semantics<subcore_parallel>], iteration_bounds = array<i64: 2, 16>, scalar_prefetch = 0 : i64, scratch_operands = 11 : i64, tpu.core_type = #tpu.core_type<sc_vector_subcore>, window_params = [{transform_indices = #map}, {transform_indices = #map}, {transform_indices = #map1}, {transform_indices = #map1}, {transform_indices = #map2}, {transform_indices = #map}, {transform_indices = #map1}, {transform_indices = #map}, {transform_indices = #map}]} {
    %mul3A = arith.constant 2 : i32
    %mul3A_0 = arith.muli %arg1, %mul3A : i32
    %add3A = arith.addi %mul3A_0, %arg0 : i32
    %mul3A_1 = arith.constant 10000 : i32
    %mul3A_2 = arith.muli %add3A, %mul3A_1 : i32
    %eq3A = arith.constant 0 : i32
    %eq3A_3 = arith.cmpi eq, %arg1, %eq3A : i32
    %convert_element_type3A = arith.extui %eq3A_3 : i1 to i32
    %cond3A = arith.constant 0 : i32
    %cond3A_4 = arith.cmpi ne, %convert_element_type3A, %cond3A : i32
    scf.if %cond3A_4 {
      "tpu.region"() ({
        %run_scoped3A = tpu.sem_alloc : memref<!tpu.dma_semaphore, #tpu.memory_space<semaphore_mem>>
        tpu.enqueue_dma source(%arg8 : memref<10000xf32, #tpu.memory_space<hbm>>) target(%arg19 : memref<10000xf32, #tpu.memory_space<vmem_shared>>) target_semaphore(%run_scoped3A : memref<!tpu.dma_semaphore, #tpu.memory_space<semaphore_mem>>)
        tpu.wait_dma2 semaphore(%run_scoped3A : memref<!tpu.dma_semaphore, #tpu.memory_space<semaphore_mem>>) src(%arg8 : memref<10000xf32, #tpu.memory_space<hbm>>) dst(%arg19 : memref<10000xf32, #tpu.memory_space<vmem_shared>>)
        tpu.yield
      }) : () -> ()
    } else {
    }
    "tpu.region"() ({
      %run_scoped3A = tpu.sem_alloc : memref<!tpu.dma_semaphore, #tpu.memory_space<semaphore_mem>>
      tpu.enqueue_dma source(%arg6 : memref<4x32x16xf32, #tpu.memory_space<hbm>>) target(%arg15 : memref<4x32x16xf32, #tpu.memory_space<vmem>>) target_semaphore(%run_scoped3A : memref<!tpu.dma_semaphore, #tpu.memory_space<semaphore_mem>>)
      tpu.wait_dma2 semaphore(%run_scoped3A : memref<!tpu.dma_semaphore, #tpu.memory_space<semaphore_mem>>) src(%arg6 : memref<4x32x16xf32, #tpu.memory_space<hbm>>) dst(%arg15 : memref<4x32x16xf32, #tpu.memory_space<vmem>>)
      tpu.yield
    }) : () -> ()
    "tpu.region"() ({
      %run_scoped3A = tpu.sem_alloc : memref<!tpu.dma_semaphore, #tpu.memory_space<semaphore_mem>>
      tpu.enqueue_dma source(%arg7 : memref<4x16xf32, #tpu.memory_space<hbm>>) target(%arg16 : memref<4x16xf32, #tpu.memory_space<vmem>>) target_semaphore(%run_scoped3A : memref<!tpu.dma_semaphore, #tpu.memory_space<semaphore_mem>>)
      tpu.wait_dma2 semaphore(%run_scoped3A : memref<!tpu.dma_semaphore, #tpu.memory_space<semaphore_mem>>) src(%arg7 : memref<4x16xf32, #tpu.memory_space<hbm>>) dst(%arg16 : memref<4x16xf32, #tpu.memory_space<vmem>>)
      tpu.yield
    }) : () -> ()
    %barrier3A = arith.constant 0 : index
    tpu.barrier barrier_id(%barrier3A)
    %scan3A = arith.constant 0 : i32
    %scan3A_5 = arith.constant 0 : i32
    %scan3A_6 = arith.constant 125 : i32
    %scan3A_7 = arith.addi %scan3A_5, %scan3A_6 : i32
    %scan3A_8 = arith.constant 1 : i32
    scf.for %scan3A_16 = %scan3A_5 to %scan3A_7 step %scan3A_8  : i32 {
      %mul3A_17 = arith.constant 80 : i32
      %mul3A_18 = arith.muli %scan3A_16, %mul3A_17 : i32
      %add3A_19 = arith.addi %mul3A_2, %mul3A_18 : i32
      "tpu.region"() ({
        %run_scoped3A_318 = tpu.sem_alloc : memref<!tpu.dma_semaphore, #tpu.memory_space<semaphore_mem>>
        %dma_start3A_319 = tpu.memref_slice %arg4[%add3A_19] : memref<320000xi32, #tpu.memory_space<hbm>> -> memref<80xi32, #tpu.memory_space<hbm>>
        %dma_start3A_320 = tpu.memref_slice %arg4[%add3A_19] : memref<320000xi32, #tpu.memory_space<hbm>> -> memref<80xi32, #tpu.memory_space<hbm>>
        tpu.enqueue_dma source(%dma_start3A_320 : memref<80xi32, #tpu.memory_space<hbm>>) target(%arg11 : memref<80xi32, #tpu.memory_space<vmem>>) target_semaphore(%run_scoped3A_318 : memref<!tpu.dma_semaphore, #tpu.memory_space<semaphore_mem>>)
        %dma_wait3A_321 = tpu.memref_slice %arg4[%add3A_19] : memref<320000xi32, #tpu.memory_space<hbm>> -> memref<80xi32, #tpu.memory_space<hbm>>
        %dma_wait3A_322 = tpu.memref_slice %arg4[%add3A_19] : memref<320000xi32, #tpu.memory_space<hbm>> -> memref<80xi32, #tpu.memory_space<hbm>>
        tpu.wait_dma2 semaphore(%run_scoped3A_318 : memref<!tpu.dma_semaphore, #tpu.memory_space<semaphore_mem>>) src(%dma_wait3A_322 : memref<80xi32, #tpu.memory_space<hbm>>) dst(%arg11 : memref<80xi32, #tpu.memory_space<vmem>>)
        tpu.yield
      }) : () -> ()
      %add3A_20 = arith.addi %mul3A_2, %mul3A_18 : i32
      "tpu.region"() ({
        %run_scoped3A_318 = tpu.sem_alloc : memref<!tpu.dma_semaphore, #tpu.memory_space<semaphore_mem>>
        %dma_start3A_319 = tpu.memref_slice %arg5[%add3A_20] : memref<320000xi32, #tpu.memory_space<hbm>> -> memref<80xi32, #tpu.memory_space<hbm>>
        %dma_start3A_320 = tpu.memref_slice %arg5[%add3A_20] : memref<320000xi32, #tpu.memory_space<hbm>> -> memref<80xi32, #tpu.memory_space<hbm>>
        tpu.enqueue_dma source(%dma_start3A_320 : memref<80xi32, #tpu.memory_space<hbm>>) target(%arg12 : memref<80xi32, #tpu.memory_space<vmem>>) target_semaphore(%run_scoped3A_318 : memref<!tpu.dma_semaphore, #tpu.memory_space<semaphore_mem>>)
        %dma_wait3A_321 = tpu.memref_slice %arg5[%add3A_20] : memref<320000xi32, #tpu.memory_space<hbm>> -> memref<80xi32, #tpu.memory_space<hbm>>
        %dma_wait3A_322 = tpu.memref_slice %arg5[%add3A_20] : memref<320000xi32, #tpu.memory_space<hbm>> -> memref<80xi32, #tpu.memory_space<hbm>>
        tpu.wait_dma2 semaphore(%run_scoped3A_318 : memref<!tpu.dma_semaphore, #tpu.memory_space<semaphore_mem>>) src(%dma_wait3A_322 : memref<80xi32, #tpu.memory_space<hbm>>) dst(%arg12 : memref<80xi32, #tpu.memory_space<vmem>>)
        tpu.yield
      }) : () -> ()
      %dma_start3A = arith.constant 0 : i32
      %dma_start3A_21 = arith.constant 0 : i32
      %dma_start3A_22 = tpu.memref_slice %arg2[%dma_start3A, %dma_start3A_21] : memref<10000x32xf32, #tpu.memory_space<hbm>> -> memref<10000x32xf32, #tpu.memory_space<hbm>>
      tpu.enqueue_indirect_dma source(%dma_start3A_22 : memref<10000x32xf32, #tpu.memory_space<hbm>>) target(%arg13 : memref<80x32xf32, #tpu.memory_space<vmem>>) offsets(%arg11 : memref<80xi32, #tpu.memory_space<vmem>>) semaphore(%arg20 : memref<!tpu.dma_semaphore, #tpu.memory_space<semaphore_mem>>)
      %dma_start3A_23 = arith.constant 0 : i32
      %dma_start3A_24 = arith.constant 0 : i32
      %dma_start3A_25 = tpu.memref_slice %arg3[%dma_start3A_23, %dma_start3A_24] : memref<10000x32xf32, #tpu.memory_space<hbm>> -> memref<10000x32xf32, #tpu.memory_space<hbm>>
      tpu.enqueue_indirect_dma source(%dma_start3A_25 : memref<10000x32xf32, #tpu.memory_space<hbm>>) target(%arg14 : memref<80x32xf32, #tpu.memory_space<vmem>>) offsets(%arg12 : memref<80xi32, #tpu.memory_space<vmem>>) semaphore(%arg21 : memref<!tpu.dma_semaphore, #tpu.memory_space<semaphore_mem>>)
      %dma_wait3A = arith.constant 0 : i32
      %dma_wait3A_26 = arith.constant 0 : i32
      %dma_wait3A_27 = tpu.memref_slice %arg2[%dma_wait3A, %dma_wait3A_26] : memref<10000x32xf32, #tpu.memory_space<hbm>> -> memref<10000x32xf32, #tpu.memory_space<hbm>>
      tpu.wait_indirect_dma semaphore(%arg20 : memref<!tpu.dma_semaphore, #tpu.memory_space<semaphore_mem>>) src(%dma_wait3A_27 : memref<10000x32xf32, #tpu.memory_space<hbm>>) dst(%arg13 : memref<80x32xf32, #tpu.memory_space<vmem>>)
      %dma_wait3A_28 = arith.constant 0 : i32
      %dma_wait3A_29 = arith.constant 0 : i32
      %dma_wait3A_30 = tpu.memref_slice %arg3[%dma_wait3A_28, %dma_wait3A_29] : memref<10000x32xf32, #tpu.memory_space<hbm>> -> memref<10000x32xf32, #tpu.memory_space<hbm>>
      tpu.wait_indirect_dma semaphore(%arg21 : memref<!tpu.dma_semaphore, #tpu.memory_space<semaphore_mem>>) src(%dma_wait3A_30 : memref<10000x32xf32, #tpu.memory_space<hbm>>) dst(%arg14 : memref<80x32xf32, #tpu.memory_space<vmem>>)
      %iota3A = tpu.iota {dimensions = array<i32: 0>} : vector<16xi32>
      %get3A = arith.constant 0 : i32
      %get3A_31 = arith.index_cast %get3A : i32 to index
      %get3A_32 = arith.constant 0 : index
      %get3A_33 = tpu.vector_load %arg16[%get3A_31, %get3A_32] {strides = array<i32>} : memref<4x16xf32, #tpu.memory_space<vmem>>, vector<16xf32>,
      %get3A_34 = arith.constant 1 : i32
      %get3A_35 = arith.index_cast %get3A_34 : i32 to index
      %get3A_36 = arith.constant 0 : index
      %get3A_37 = tpu.vector_load %arg16[%get3A_35, %get3A_36] {strides = array<i32>} : memref<4x16xf32, #tpu.memory_space<vmem>>, vector<16xf32>,
      %get3A_38 = arith.constant 2 : i32
      %get3A_39 = arith.index_cast %get3A_38 : i32 to index
      %get3A_40 = arith.constant 0 : index
      %get3A_41 = tpu.vector_load %arg16[%get3A_39, %get3A_40] {strides = array<i32>} : memref<4x16xf32, #tpu.memory_space<vmem>>, vector<16xf32>,
      %get3A_42 = arith.constant 3 : i32
      %get3A_43 = arith.index_cast %get3A_42 : i32 to index
      %get3A_44 = arith.constant 0 : index
      %get3A_45 = tpu.vector_load %arg16[%get3A_43, %get3A_44] {strides = array<i32>} : memref<4x16xf32, #tpu.memory_space<vmem>>, vector<16xf32>,
      %scan3A_46 = arith.constant 0 : i32
      %scan3A_47 = arith.constant 32 : i32
      %scan3A_48 = arith.addi %scan3A_46, %scan3A_47 : i32
      %scan3A_49 = arith.constant 1 : i32
      %scan3A_50:20 = scf.for %scan3A_318 = %scan3A_46 to %scan3A_48 step %scan3A_49 iter_args(%scan3A_319 = %get3A_33, %scan3A_320 = %get3A_37, %scan3A_321 = %get3A_41, %scan3A_322 = %get3A_45, %scan3A_323 = %get3A_33, %scan3A_324 = %get3A_37, %scan3A_325 = %get3A_41, %scan3A_326 = %get3A_45, %scan3A_327 = %get3A_33, %scan3A_328 = %get3A_37, %scan3A_329 = %get3A_41, %scan3A_330 = %get3A_45, %scan3A_331 = %get3A_33, %scan3A_332 = %get3A_37, %scan3A_333 = %get3A_41, %scan3A_334 = %get3A_45, %scan3A_335 = %get3A_33, %scan3A_336 = %get3A_37, %scan3A_337 = %get3A_41, %scan3A_338 = %get3A_45) -> (vector<16xf32>, vector<16xf32>, vector<16xf32>, vector<16xf32>, vector<16xf32>, vector<16xf32>, vector<16xf32>, vector<16xf32>, vector<16xf32>, vector<16xf32>, vector<16xf32>, vector<16xf32>, vector<16xf32>, vector<16xf32>, vector<16xf32>, vector<16xf32>, vector<16xf32>, vector<16xf32>, vector<16xf32>, vector<16xf32>)  : i32 {
        %get3A_339 = arith.constant 0 : i32
        %get3A_340 = arith.index_cast %get3A_339 : i32 to index
        %get3A_341 = arith.index_cast %scan3A_318 : i32 to index
        %get3A_342 = arith.constant 0 : index
        %get3A_343 = tpu.vector_load %arg15[%get3A_340, %get3A_341, %get3A_342] {strides = array<i32>} : memref<4x32x16xf32, #tpu.memory_space<vmem>>, vector<16xf32>,
        %get3A_344 = arith.constant 1 : i32
        %get3A_345 = arith.index_cast %get3A_344 : i32 to index
        %get3A_346 = arith.index_cast %scan3A_318 : i32 to index
        %get3A_347 = arith.constant 0 : index
        %get3A_348 = tpu.vector_load %arg15[%get3A_345, %get3A_346, %get3A_347] {strides = array<i32>} : memref<4x32x16xf32, #tpu.memory_space<vmem>>, vector<16xf32>,
        %get3A_349 = arith.constant 2 : i32
        %get3A_350 = arith.index_cast %get3A_349 : i32 to index
        %get3A_351 = arith.index_cast %scan3A_318 : i32 to index
        %get3A_352 = arith.constant 0 : index
        %get3A_353 = tpu.vector_load %arg15[%get3A_350, %get3A_351, %get3A_352] {strides = array<i32>} : memref<4x32x16xf32, #tpu.memory_space<vmem>>, vector<16xf32>,
        %get3A_354 = arith.constant 3 : i32
        %get3A_355 = arith.index_cast %get3A_354 : i32 to index
        %get3A_356 = arith.index_cast %scan3A_318 : i32 to index
        %get3A_357 = arith.constant 0 : index
        %get3A_358 = tpu.vector_load %arg15[%get3A_355, %get3A_356, %get3A_357] {strides = array<i32>} : memref<4x32x16xf32, #tpu.memory_space<vmem>>, vector<16xf32>,
        %broadcast_in_dim3A = arith.constant 0 : i32
        %broadcast_in_dim3A_359 = vector.broadcast %broadcast_in_dim3A : i32 to vector<16xi32>
        %add3A_360 = vector.broadcast %scan3A_318 : i32 to vector<16xi32>
        %add3A_361 = arith.addi %broadcast_in_dim3A_359, %add3A_360 : vector<16xi32>
        %add3A_362 = arith.constant 0 : i32
        %add3A_363 = vector.broadcast %add3A_362 : i32 to vector<16xi32>
        %add3A_364 = arith.addi %add3A_363, %iota3A : vector<16xi32>
        %gather3A = tpu.vector_load_idx %arg13[%add3A_364, %add3A_361] : memref<80x32xf32, #tpu.memory_space<vmem>>[vector<16xi32>, vector<16xi32>], vector<16xf32>,
        %gather3A_365 = tpu.vector_load_idx %arg14[%add3A_364, %add3A_361] : memref<80x32xf32, #tpu.memory_space<vmem>>[vector<16xi32>, vector<16xi32>], vector<16xf32>,
        %add3A_366 = arith.addf %gather3A, %gather3A_365 : vector<16xf32>
        %max3A_367 = arith.constant 0.000000e+00 : f32
        %max3A_368 = vector.broadcast %max3A_367 : f32 to vector<16xf32>
        %max3A_369 = arith.maximumf %add3A_366, %max3A_368 : vector<16xf32>
        %mul3A_370 = arith.mulf %get3A_343, %max3A_369 : vector<16xf32>
        %add3A_371 = arith.addf %scan3A_319, %mul3A_370 : vector<16xf32>
        %mul3A_372 = arith.mulf %get3A_348, %max3A_369 : vector<16xf32>
        %add3A_373 = arith.addf %scan3A_320, %mul3A_372 : vector<16xf32>
        %mul3A_374 = arith.mulf %get3A_353, %max3A_369 : vector<16xf32>
        %add3A_375 = arith.addf %scan3A_321, %mul3A_374 : vector<16xf32>
        %mul3A_376 = arith.mulf %get3A_358, %max3A_369 : vector<16xf32>
        %add3A_377 = arith.addf %scan3A_322, %mul3A_376 : vector<16xf32>
        %add3A_378 = arith.constant 16 : i32
        %add3A_379 = vector.broadcast %add3A_378 : i32 to vector<16xi32>
        %add3A_380 = arith.addi %add3A_379, %iota3A : vector<16xi32>
        %gather3A_381 = tpu.vector_load_idx %arg13[%add3A_380, %add3A_361] : memref<80x32xf32, #tpu.memory_space<vmem>>[vector<16xi32>, vector<16xi32>], vector<16xf32>,
        %gather3A_382 = tpu.vector_load_idx %arg14[%add3A_380, %add3A_361] : memref<80x32xf32, #tpu.memory_space<vmem>>[vector<16xi32>, vector<16xi32>], vector<16xf32>,
        %add3A_383 = arith.addf %gather3A_381, %gather3A_382 : vector<16xf32>
        %max3A_384 = arith.constant 0.000000e+00 : f32
        %max3A_385 = vector.broadcast %max3A_384 : f32 to vector<16xf32>
        %max3A_386 = arith.maximumf %add3A_383, %max3A_385 : vector<16xf32>
        %mul3A_387 = arith.mulf %get3A_343, %max3A_386 : vector<16xf32>
        %add3A_388 = arith.addf %scan3A_323, %mul3A_387 : vector<16xf32>
        %mul3A_389 = arith.mulf %get3A_348, %max3A_386 : vector<16xf32>
        %add3A_390 = arith.addf %scan3A_324, %mul3A_389 : vector<16xf32>
        %mul3A_391 = arith.mulf %get3A_353, %max3A_386 : vector<16xf32>
        %add3A_392 = arith.addf %scan3A_325, %mul3A_391 : vector<16xf32>
        %mul3A_393 = arith.mulf %get3A_358, %max3A_386 : vector<16xf32>
        %add3A_394 = arith.addf %scan3A_326, %mul3A_393 : vector<16xf32>
        %add3A_395 = arith.constant 32 : i32
        %add3A_396 = vector.broadcast %add3A_395 : i32 to vector<16xi32>
        %add3A_397 = arith.addi %add3A_396, %iota3A : vector<16xi32>
        %gather3A_398 = tpu.vector_load_idx %arg13[%add3A_397, %add3A_361] : memref<80x32xf32, #tpu.memory_space<vmem>>[vector<16xi32>, vector<16xi32>], vector<16xf32>,
        %gather3A_399 = tpu.vector_load_idx %arg14[%add3A_397, %add3A_361] : memref<80x32xf32, #tpu.memory_space<vmem>>[vector<16xi32>, vector<16xi32>], vector<16xf32>,
        %add3A_400 = arith.addf %gather3A_398, %gather3A_399 : vector<16xf32>
        %max3A_401 = arith.constant 0.000000e+00 : f32
        %max3A_402 = vector.broadcast %max3A_401 : f32 to vector<16xf32>
        %max3A_403 = arith.maximumf %add3A_400, %max3A_402 : vector<16xf32>
        %mul3A_404 = arith.mulf %get3A_343, %max3A_403 : vector<16xf32>
        %add3A_405 = arith.addf %scan3A_327, %mul3A_404 : vector<16xf32>
        %mul3A_406 = arith.mulf %get3A_348, %max3A_403 : vector<16xf32>
        %add3A_407 = arith.addf %scan3A_328, %mul3A_406 : vector<16xf32>
        %mul3A_408 = arith.mulf %get3A_353, %max3A_403 : vector<16xf32>
        %add3A_409 = arith.addf %scan3A_329, %mul3A_408 : vector<16xf32>
        %mul3A_410 = arith.mulf %get3A_358, %max3A_403 : vector<16xf32>
        %add3A_411 = arith.addf %scan3A_330, %mul3A_410 : vector<16xf32>
        %add3A_412 = arith.constant 48 : i32
        %add3A_413 = vector.broadcast %add3A_412 : i32 to vector<16xi32>
        %add3A_414 = arith.addi %add3A_413, %iota3A : vector<16xi32>
        %gather3A_415 = tpu.vector_load_idx %arg13[%add3A_414, %add3A_361] : memref<80x32xf32, #tpu.memory_space<vmem>>[vector<16xi32>, vector<16xi32>], vector<16xf32>,
        %gather3A_416 = tpu.vector_load_idx %arg14[%add3A_414, %add3A_361] : memref<80x32xf32, #tpu.memory_space<vmem>>[vector<16xi32>, vector<16xi32>], vector<16xf32>,
        %add3A_417 = arith.addf %gather3A_415, %gather3A_416 : vector<16xf32>
        %max3A_418 = arith.constant 0.000000e+00 : f32
        %max3A_419 = vector.broadcast %max3A_418 : f32 to vector<16xf32>
        %max3A_420 = arith.maximumf %add3A_417, %max3A_419 : vector<16xf32>
        %mul3A_421 = arith.mulf %get3A_343, %max3A_420 : vector<16xf32>
        %add3A_422 = arith.addf %scan3A_331, %mul3A_421 : vector<16xf32>
        %mul3A_423 = arith.mulf %get3A_348, %max3A_420 : vector<16xf32>
        %add3A_424 = arith.addf %scan3A_332, %mul3A_423 : vector<16xf32>
        %mul3A_425 = arith.mulf %get3A_353, %max3A_420 : vector<16xf32>
        %add3A_426 = arith.addf %scan3A_333, %mul3A_425 : vector<16xf32>
        %mul3A_427 = arith.mulf %get3A_358, %max3A_420 : vector<16xf32>
        %add3A_428 = arith.addf %scan3A_334, %mul3A_427 : vector<16xf32>
        %add3A_429 = arith.constant 64 : i32
        %add3A_430 = vector.broadcast %add3A_429 : i32 to vector<16xi32>
        %add3A_431 = arith.addi %add3A_430, %iota3A : vector<16xi32>
        %gather3A_432 = tpu.vector_load_idx %arg13[%add3A_431, %add3A_361] : memref<80x32xf32, #tpu.memory_space<vmem>>[vector<16xi32>, vector<16xi32>], vector<16xf32>,
        %gather3A_433 = tpu.vector_load_idx %arg14[%add3A_431, %add3A_361] : memref<80x32xf32, #tpu.memory_space<vmem>>[vector<16xi32>, vector<16xi32>], vector<16xf32>,
        %add3A_434 = arith.addf %gather3A_432, %gather3A_433 : vector<16xf32>
        %max3A_435 = arith.constant 0.000000e+00 : f32
        %max3A_436 = vector.broadcast %max3A_435 : f32 to vector<16xf32>
        %max3A_437 = arith.maximumf %add3A_434, %max3A_436 : vector<16xf32>
        %mul3A_438 = arith.mulf %get3A_343, %max3A_437 : vector<16xf32>
        %add3A_439 = arith.addf %scan3A_335, %mul3A_438 : vector<16xf32>
        %mul3A_440 = arith.mulf %get3A_348, %max3A_437 : vector<16xf32>
        %add3A_441 = arith.addf %scan3A_336, %mul3A_440 : vector<16xf32>
        %mul3A_442 = arith.mulf %get3A_353, %max3A_437 : vector<16xf32>
        %add3A_443 = arith.addf %scan3A_337, %mul3A_442 : vector<16xf32>
        %mul3A_444 = arith.mulf %get3A_358, %max3A_437 : vector<16xf32>
        %add3A_445 = arith.addf %scan3A_338, %mul3A_444 : vector<16xf32>
        scf.yield %add3A_371, %add3A_373, %add3A_375, %add3A_377, %add3A_388, %add3A_390, %add3A_392, %add3A_394, %add3A_405, %add3A_407, %add3A_409, %add3A_411, %add3A_422, %add3A_424, %add3A_426, %add3A_428, %add3A_439, %add3A_441, %add3A_443, %add3A_445 : vector<16xf32>, vector<16xf32>, vector<16xf32>, vector<16xf32>, vector<16xf32>, vector<16xf32>, vector<16xf32>, vector<16xf32>, vector<16xf32>, vector<16xf32>, vector<16xf32>, vector<16xf32>, vector<16xf32>, vector<16xf32>, vector<16xf32>, vector<16xf32>, vector<16xf32>, vector<16xf32>, vector<16xf32>, vector<16xf32>
      }
      %scan3A_51 = arith.constant 32 : i32
      %max3A = arith.maximumf %scan3A_50#0, %scan3A_50#1 : vector<16xf32>
      %max3A_52 = arith.maximumf %scan3A_50#2, %scan3A_50#3 : vector<16xf32>
      %max3A_53 = arith.maximumf %max3A, %max3A_52 : vector<16xf32>
      %sub3A = arith.subf %scan3A_50#0, %max3A_53 : vector<16xf32>
      %exp3A = math.exp %sub3A : vector<16xf32>
      %sub3A_54 = arith.subf %scan3A_50#1, %max3A_53 : vector<16xf32>
      %exp3A_55 = math.exp %sub3A_54 : vector<16xf32>
      %sub3A_56 = arith.subf %scan3A_50#2, %max3A_53 : vector<16xf32>
      %exp3A_57 = math.exp %sub3A_56 : vector<16xf32>
      %sub3A_58 = arith.subf %scan3A_50#3, %max3A_53 : vector<16xf32>
      %exp3A_59 = math.exp %sub3A_58 : vector<16xf32>
      %add3A_60 = arith.addf %exp3A, %exp3A_55 : vector<16xf32>
      %add3A_61 = arith.addf %add3A_60, %exp3A_57 : vector<16xf32>
      %add3A_62 = arith.addf %add3A_61, %exp3A_59 : vector<16xf32>
      %div3A = arith.constant 1.000000e+00 : f32
      %div3A_63 = vector.broadcast %div3A : f32 to vector<16xf32>
      %div3A_64 = arith.divf %div3A_63, %add3A_62 : vector<16xf32>
      %mul3A_65 = arith.mulf %exp3A, %div3A_64 : vector<16xf32>
      %swap3A = arith.constant 0 : i32
      %swap3A_66 = arith.index_cast %swap3A : i32 to index
      %swap3A_67 = arith.constant 0 : index
      %swap3A_68 = tpu.vector_load %arg17[%swap3A_66, %swap3A_67] {strides = array<i32>} : memref<4x80xf32, #tpu.memory_space<vmem>>, vector<16xf32>,
      tpu.vector_store %arg17[%swap3A_66, %swap3A_67], %mul3A_65 {strides = array<i32>} : memref<4x80xf32, #tpu.memory_space<vmem>>, vector<16xf32>,
      %mul3A_69 = arith.mulf %exp3A_55, %div3A_64 : vector<16xf32>
      %swap3A_70 = arith.constant 1 : i32
      %swap3A_71 = arith.index_cast %swap3A_70 : i32 to index
      %swap3A_72 = arith.constant 0 : index
      %swap3A_73 = tpu.vector_load %arg17[%swap3A_71, %swap3A_72] {strides = array<i32>} : memref<4x80xf32, #tpu.memory_space<vmem>>, vector<16xf32>,
      tpu.vector_store %arg17[%swap3A_71, %swap3A_72], %mul3A_69 {strides = array<i32>} : memref<4x80xf32, #tpu.memory_space<vmem>>, vector<16xf32>,
      %mul3A_74 = arith.mulf %exp3A_57, %div3A_64 : vector<16xf32>
      %swap3A_75 = arith.constant 2 : i32
      %swap3A_76 = arith.index_cast %swap3A_75 : i32 to index
      %swap3A_77 = arith.constant 0 : index
      %swap3A_78 = tpu.vector_load %arg17[%swap3A_76, %swap3A_77] {strides = array<i32>} : memref<4x80xf32, #tpu.memory_space<vmem>>, vector<16xf32>,
      tpu.vector_store %arg17[%swap3A_76, %swap3A_77], %mul3A_74 {strides = array<i32>} : memref<4x80xf32, #tpu.memory_space<vmem>>, vector<16xf32>,
      %mul3A_79 = arith.mulf %exp3A_59, %div3A_64 : vector<16xf32>
      %swap3A_80 = arith.constant 3 : i32
      %swap3A_81 = arith.index_cast %swap3A_80 : i32 to index
      %swap3A_82 = arith.constant 0 : index
      %swap3A_83 = tpu.vector_load %arg17[%swap3A_81, %swap3A_82] {strides = array<i32>} : memref<4x80xf32, #tpu.memory_space<vmem>>, vector<16xf32>,
      tpu.vector_store %arg17[%swap3A_81, %swap3A_82], %mul3A_79 {strides = array<i32>} : memref<4x80xf32, #tpu.memory_space<vmem>>, vector<16xf32>,
      %mul3A_84 = arith.constant 2.000000e+00 : f32
      %mul3A_85 = vector.broadcast %mul3A_84 : f32 to vector<16xf32>
      %mul3A_86 = arith.mulf %mul3A_85, %exp3A_55 : vector<16xf32>
      %add3A_87 = arith.addf %exp3A, %mul3A_86 : vector<16xf32>
      %mul3A_88 = arith.constant 3.000000e+00 : f32
      %mul3A_89 = vector.broadcast %mul3A_88 : f32 to vector<16xf32>
      %mul3A_90 = arith.mulf %mul3A_89, %exp3A_57 : vector<16xf32>
      %add3A_91 = arith.addf %add3A_87, %mul3A_90 : vector<16xf32>
      %mul3A_92 = arith.constant 1.500000e+00 : f32
      %mul3A_93 = vector.broadcast %mul3A_92 : f32 to vector<16xf32>
      %mul3A_94 = arith.mulf %mul3A_93, %exp3A_59 : vector<16xf32>
      %add3A_95 = arith.addf %add3A_91, %mul3A_94 : vector<16xf32>
      %mul3A_96 = arith.mulf %add3A_95, %div3A_64 : vector<16xf32>
      %swap3A_97 = arith.constant 0 : index
      %swap3A_98 = tpu.vector_load %arg18[%swap3A_97] {strides = array<i32>} : memref<80xf32, #tpu.memory_space<vmem>>, vector<16xf32>,
      tpu.vector_store %arg18[%swap3A_97], %mul3A_96 {strides = array<i32>} : memref<80xf32, #tpu.memory_space<vmem>>, vector<16xf32>,
      %max3A_99 = arith.maximumf %scan3A_50#4, %scan3A_50#5 : vector<16xf32>
      %max3A_100 = arith.maximumf %scan3A_50#6, %scan3A_50#7 : vector<16xf32>
      %max3A_101 = arith.maximumf %max3A_99, %max3A_100 : vector<16xf32>
      %sub3A_102 = arith.subf %scan3A_50#4, %max3A_101 : vector<16xf32>
      %exp3A_103 = math.exp %sub3A_102 : vector<16xf32>
      %sub3A_104 = arith.subf %scan3A_50#5, %max3A_101 : vector<16xf32>
      %exp3A_105 = math.exp %sub3A_104 : vector<16xf32>
      %sub3A_106 = arith.subf %scan3A_50#6, %max3A_101 : vector<16xf32>
      %exp3A_107 = math.exp %sub3A_106 : vector<16xf32>
      %sub3A_108 = arith.subf %scan3A_50#7, %max3A_101 : vector<16xf32>
      %exp3A_109 = math.exp %sub3A_108 : vector<16xf32>
      %add3A_110 = arith.addf %exp3A_103, %exp3A_105 : vector<16xf32>
      %add3A_111 = arith.addf %add3A_110, %exp3A_107 : vector<16xf32>
      %add3A_112 = arith.addf %add3A_111, %exp3A_109 : vector<16xf32>
      %div3A_113 = arith.constant 1.000000e+00 : f32
      %div3A_114 = vector.broadcast %div3A_113 : f32 to vector<16xf32>
      %div3A_115 = arith.divf %div3A_114, %add3A_112 : vector<16xf32>
      %mul3A_116 = arith.mulf %exp3A_103, %div3A_115 : vector<16xf32>
      %swap3A_117 = arith.constant 0 : i32
      %swap3A_118 = arith.index_cast %swap3A_117 : i32 to index
      %swap3A_119 = arith.constant 16 : index
      %swap3A_120 = tpu.vector_load %arg17[%swap3A_118, %swap3A_119] {strides = array<i32>} : memref<4x80xf32, #tpu.memory_space<vmem>>, vector<16xf32>,
      tpu.vector_store %arg17[%swap3A_118, %swap3A_119], %mul3A_116 {strides = array<i32>} : memref<4x80xf32, #tpu.memory_space<vmem>>, vector<16xf32>,
      %mul3A_121 = arith.mulf %exp3A_105, %div3A_115 : vector<16xf32>
      %swap3A_122 = arith.constant 1 : i32
      %swap3A_123 = arith.index_cast %swap3A_122 : i32 to index
      %swap3A_124 = arith.constant 16 : index
      %swap3A_125 = tpu.vector_load %arg17[%swap3A_123, %swap3A_124] {strides = array<i32>} : memref<4x80xf32, #tpu.memory_space<vmem>>, vector<16xf32>,
      tpu.vector_store %arg17[%swap3A_123, %swap3A_124], %mul3A_121 {strides = array<i32>} : memref<4x80xf32, #tpu.memory_space<vmem>>, vector<16xf32>,
      %mul3A_126 = arith.mulf %exp3A_107, %div3A_115 : vector<16xf32>
      %swap3A_127 = arith.constant 2 : i32
      %swap3A_128 = arith.index_cast %swap3A_127 : i32 to index
      %swap3A_129 = arith.constant 16 : index
      %swap3A_130 = tpu.vector_load %arg17[%swap3A_128, %swap3A_129] {strides = array<i32>} : memref<4x80xf32, #tpu.memory_space<vmem>>, vector<16xf32>,
      tpu.vector_store %arg17[%swap3A_128, %swap3A_129], %mul3A_126 {strides = array<i32>} : memref<4x80xf32, #tpu.memory_space<vmem>>, vector<16xf32>,
      %mul3A_131 = arith.mulf %exp3A_109, %div3A_115 : vector<16xf32>
      %swap3A_132 = arith.constant 3 : i32
      %swap3A_133 = arith.index_cast %swap3A_132 : i32 to index
      %swap3A_134 = arith.constant 16 : index
      %swap3A_135 = tpu.vector_load %arg17[%swap3A_133, %swap3A_134] {strides = array<i32>} : memref<4x80xf32, #tpu.memory_space<vmem>>, vector<16xf32>,
      tpu.vector_store %arg17[%swap3A_133, %swap3A_134], %mul3A_131 {strides = array<i32>} : memref<4x80xf32, #tpu.memory_space<vmem>>, vector<16xf32>,
      %mul3A_136 = arith.constant 2.000000e+00 : f32
      %mul3A_137 = vector.broadcast %mul3A_136 : f32 to vector<16xf32>
      %mul3A_138 = arith.mulf %mul3A_137, %exp3A_105 : vector<16xf32>
      %add3A_139 = arith.addf %exp3A_103, %mul3A_138 : vector<16xf32>
      %mul3A_140 = arith.constant 3.000000e+00 : f32
      %mul3A_141 = vector.broadcast %mul3A_140 : f32 to vector<16xf32>
      %mul3A_142 = arith.mulf %mul3A_141, %exp3A_107 : vector<16xf32>
      %add3A_143 = arith.addf %add3A_139, %mul3A_142 : vector<16xf32>
      %mul3A_144 = arith.constant 1.500000e+00 : f32
      %mul3A_145 = vector.broadcast %mul3A_144 : f32 to vector<16xf32>
      %mul3A_146 = arith.mulf %mul3A_145, %exp3A_109 : vector<16xf32>
      %add3A_147 = arith.addf %add3A_143, %mul3A_146 : vector<16xf32>
      %mul3A_148 = arith.mulf %add3A_147, %div3A_115 : vector<16xf32>
      %swap3A_149 = arith.constant 16 : index
      %swap3A_150 = tpu.vector_load %arg18[%swap3A_149] {strides = array<i32>} : memref<80xf32, #tpu.memory_space<vmem>>, vector<16xf32>,
      tpu.vector_store %arg18[%swap3A_149], %mul3A_148 {strides = array<i32>} : memref<80xf32, #tpu.memory_space<vmem>>, vector<16xf32>,
      %max3A_151 = arith.maximumf %scan3A_50#8, %scan3A_50#9 : vector<16xf32>
      %max3A_152 = arith.maximumf %scan3A_50#10, %scan3A_50#11 : vector<16xf32>
      %max3A_153 = arith.maximumf %max3A_151, %max3A_152 : vector<16xf32>
      %sub3A_154 = arith.subf %scan3A_50#8, %max3A_153 : vector<16xf32>
      %exp3A_155 = math.exp %sub3A_154 : vector<16xf32>
      %sub3A_156 = arith.subf %scan3A_50#9, %max3A_153 : vector<16xf32>
      %exp3A_157 = math.exp %sub3A_156 : vector<16xf32>
      %sub3A_158 = arith.subf %scan3A_50#10, %max3A_153 : vector<16xf32>
      %exp3A_159 = math.exp %sub3A_158 : vector<16xf32>
      %sub3A_160 = arith.subf %scan3A_50#11, %max3A_153 : vector<16xf32>
      %exp3A_161 = math.exp %sub3A_160 : vector<16xf32>
      %add3A_162 = arith.addf %exp3A_155, %exp3A_157 : vector<16xf32>
      %add3A_163 = arith.addf %add3A_162, %exp3A_159 : vector<16xf32>
      %add3A_164 = arith.addf %add3A_163, %exp3A_161 : vector<16xf32>
      %div3A_165 = arith.constant 1.000000e+00 : f32
      %div3A_166 = vector.broadcast %div3A_165 : f32 to vector<16xf32>
      %div3A_167 = arith.divf %div3A_166, %add3A_164 : vector<16xf32>
      %mul3A_168 = arith.mulf %exp3A_155, %div3A_167 : vector<16xf32>
      %swap3A_169 = arith.constant 0 : i32
      %swap3A_170 = arith.index_cast %swap3A_169 : i32 to index
      %swap3A_171 = arith.constant 32 : index
      %swap3A_172 = tpu.vector_load %arg17[%swap3A_170, %swap3A_171] {strides = array<i32>} : memref<4x80xf32, #tpu.memory_space<vmem>>, vector<16xf32>,
      tpu.vector_store %arg17[%swap3A_170, %swap3A_171], %mul3A_168 {strides = array<i32>} : memref<4x80xf32, #tpu.memory_space<vmem>>, vector<16xf32>,
      %mul3A_173 = arith.mulf %exp3A_157, %div3A_167 : vector<16xf32>
      %swap3A_174 = arith.constant 1 : i32
      %swap3A_175 = arith.index_cast %swap3A_174 : i32 to index
      %swap3A_176 = arith.constant 32 : index
      %swap3A_177 = tpu.vector_load %arg17[%swap3A_175, %swap3A_176] {strides = array<i32>} : memref<4x80xf32, #tpu.memory_space<vmem>>, vector<16xf32>,
      tpu.vector_store %arg17[%swap3A_175, %swap3A_176], %mul3A_173 {strides = array<i32>} : memref<4x80xf32, #tpu.memory_space<vmem>>, vector<16xf32>,
      %mul3A_178 = arith.mulf %exp3A_159, %div3A_167 : vector<16xf32>
      %swap3A_179 = arith.constant 2 : i32
      %swap3A_180 = arith.index_cast %swap3A_179 : i32 to index
      %swap3A_181 = arith.constant 32 : index
      %swap3A_182 = tpu.vector_load %arg17[%swap3A_180, %swap3A_181] {strides = array<i32>} : memref<4x80xf32, #tpu.memory_space<vmem>>, vector<16xf32>,
      tpu.vector_store %arg17[%swap3A_180, %swap3A_181], %mul3A_178 {strides = array<i32>} : memref<4x80xf32, #tpu.memory_space<vmem>>, vector<16xf32>,
      %mul3A_183 = arith.mulf %exp3A_161, %div3A_167 : vector<16xf32>
      %swap3A_184 = arith.constant 3 : i32
      %swap3A_185 = arith.index_cast %swap3A_184 : i32 to index
      %swap3A_186 = arith.constant 32 : index
      %swap3A_187 = tpu.vector_load %arg17[%swap3A_185, %swap3A_186] {strides = array<i32>} : memref<4x80xf32, #tpu.memory_space<vmem>>, vector<16xf32>,
      tpu.vector_store %arg17[%swap3A_185, %swap3A_186], %mul3A_183 {strides = array<i32>} : memref<4x80xf32, #tpu.memory_space<vmem>>, vector<16xf32>,
      %mul3A_188 = arith.constant 2.000000e+00 : f32
      %mul3A_189 = vector.broadcast %mul3A_188 : f32 to vector<16xf32>
      %mul3A_190 = arith.mulf %mul3A_189, %exp3A_157 : vector<16xf32>
      %add3A_191 = arith.addf %exp3A_155, %mul3A_190 : vector<16xf32>
      %mul3A_192 = arith.constant 3.000000e+00 : f32
      %mul3A_193 = vector.broadcast %mul3A_192 : f32 to vector<16xf32>
      %mul3A_194 = arith.mulf %mul3A_193, %exp3A_159 : vector<16xf32>
      %add3A_195 = arith.addf %add3A_191, %mul3A_194 : vector<16xf32>
      %mul3A_196 = arith.constant 1.500000e+00 : f32
      %mul3A_197 = vector.broadcast %mul3A_196 : f32 to vector<16xf32>
      %mul3A_198 = arith.mulf %mul3A_197, %exp3A_161 : vector<16xf32>
      %add3A_199 = arith.addf %add3A_195, %mul3A_198 : vector<16xf32>
      %mul3A_200 = arith.mulf %add3A_199, %div3A_167 : vector<16xf32>
      %swap3A_201 = arith.constant 32 : index
      %swap3A_202 = tpu.vector_load %arg18[%swap3A_201] {strides = array<i32>} : memref<80xf32, #tpu.memory_space<vmem>>, vector<16xf32>,
      tpu.vector_store %arg18[%swap3A_201], %mul3A_200 {strides = array<i32>} : memref<80xf32, #tpu.memory_space<vmem>>, vector<16xf32>,
      %max3A_203 = arith.maximumf %scan3A_50#12, %scan3A_50#13 : vector<16xf32>
      %max3A_204 = arith.maximumf %scan3A_50#14, %scan3A_50#15 : vector<16xf32>
      %max3A_205 = arith.maximumf %max3A_203, %max3A_204 : vector<16xf32>
      %sub3A_206 = arith.subf %scan3A_50#12, %max3A_205 : vector<16xf32>
      %exp3A_207 = math.exp %sub3A_206 : vector<16xf32>
      %sub3A_208 = arith.subf %scan3A_50#13, %max3A_205 : vector<16xf32>
      %exp3A_209 = math.exp %sub3A_208 : vector<16xf32>
      %sub3A_210 = arith.subf %scan3A_50#14, %max3A_205 : vector<16xf32>
      %exp3A_211 = math.exp %sub3A_210 : vector<16xf32>
      %sub3A_212 = arith.subf %scan3A_50#15, %max3A_205 : vector<16xf32>
      %exp3A_213 = math.exp %sub3A_212 : vector<16xf32>
      %add3A_214 = arith.addf %exp3A_207, %exp3A_209 : vector<16xf32>
      %add3A_215 = arith.addf %add3A_214, %exp3A_211 : vector<16xf32>
      %add3A_216 = arith.addf %add3A_215, %exp3A_213 : vector<16xf32>
      %div3A_217 = arith.constant 1.000000e+00 : f32
      %div3A_218 = vector.broadcast %div3A_217 : f32 to vector<16xf32>
      %div3A_219 = arith.divf %div3A_218, %add3A_216 : vector<16xf32>
      %mul3A_220 = arith.mulf %exp3A_207, %div3A_219 : vector<16xf32>
      %swap3A_221 = arith.constant 0 : i32
      %swap3A_222 = arith.index_cast %swap3A_221 : i32 to index
      %swap3A_223 = arith.constant 48 : index
      %swap3A_224 = tpu.vector_load %arg17[%swap3A_222, %swap3A_223] {strides = array<i32>} : memref<4x80xf32, #tpu.memory_space<vmem>>, vector<16xf32>,
      tpu.vector_store %arg17[%swap3A_222, %swap3A_223], %mul3A_220 {strides = array<i32>} : memref<4x80xf32, #tpu.memory_space<vmem>>, vector<16xf32>,
      %mul3A_225 = arith.mulf %exp3A_209, %div3A_219 : vector<16xf32>
      %swap3A_226 = arith.constant 1 : i32
      %swap3A_227 = arith.index_cast %swap3A_226 : i32 to index
      %swap3A_228 = arith.constant 48 : index
      %swap3A_229 = tpu.vector_load %arg17[%swap3A_227, %swap3A_228] {strides = array<i32>} : memref<4x80xf32, #tpu.memory_space<vmem>>, vector<16xf32>,
      tpu.vector_store %arg17[%swap3A_227, %swap3A_228], %mul3A_225 {strides = array<i32>} : memref<4x80xf32, #tpu.memory_space<vmem>>, vector<16xf32>,
      %mul3A_230 = arith.mulf %exp3A_211, %div3A_219 : vector<16xf32>
      %swap3A_231 = arith.constant 2 : i32
      %swap3A_232 = arith.index_cast %swap3A_231 : i32 to index
      %swap3A_233 = arith.constant 48 : index
      %swap3A_234 = tpu.vector_load %arg17[%swap3A_232, %swap3A_233] {strides = array<i32>} : memref<4x80xf32, #tpu.memory_space<vmem>>, vector<16xf32>,
      tpu.vector_store %arg17[%swap3A_232, %swap3A_233], %mul3A_230 {strides = array<i32>} : memref<4x80xf32, #tpu.memory_space<vmem>>, vector<16xf32>,
      %mul3A_235 = arith.mulf %exp3A_213, %div3A_219 : vector<16xf32>
      %swap3A_236 = arith.constant 3 : i32
      %swap3A_237 = arith.index_cast %swap3A_236 : i32 to index
      %swap3A_238 = arith.constant 48 : index
      %swap3A_239 = tpu.vector_load %arg17[%swap3A_237, %swap3A_238] {strides = array<i32>} : memref<4x80xf32, #tpu.memory_space<vmem>>, vector<16xf32>,
      tpu.vector_store %arg17[%swap3A_237, %swap3A_238], %mul3A_235 {strides = array<i32>} : memref<4x80xf32, #tpu.memory_space<vmem>>, vector<16xf32>,
      %mul3A_240 = arith.constant 2.000000e+00 : f32
      %mul3A_241 = vector.broadcast %mul3A_240 : f32 to vector<16xf32>
      %mul3A_242 = arith.mulf %mul3A_241, %exp3A_209 : vector<16xf32>
      %add3A_243 = arith.addf %exp3A_207, %mul3A_242 : vector<16xf32>
      %mul3A_244 = arith.constant 3.000000e+00 : f32
      %mul3A_245 = vector.broadcast %mul3A_244 : f32 to vector<16xf32>
      %mul3A_246 = arith.mulf %mul3A_245, %exp3A_211 : vector<16xf32>
      %add3A_247 = arith.addf %add3A_243, %mul3A_246 : vector<16xf32>
      %mul3A_248 = arith.constant 1.500000e+00 : f32
      %mul3A_249 = vector.broadcast %mul3A_248 : f32 to vector<16xf32>
      %mul3A_250 = arith.mulf %mul3A_249, %exp3A_213 : vector<16xf32>
      %add3A_251 = arith.addf %add3A_247, %mul3A_250 : vector<16xf32>
      %mul3A_252 = arith.mulf %add3A_251, %div3A_219 : vector<16xf32>
      %swap3A_253 = arith.constant 48 : index
      %swap3A_254 = tpu.vector_load %arg18[%swap3A_253] {strides = array<i32>} : memref<80xf32, #tpu.memory_space<vmem>>, vector<16xf32>,
      tpu.vector_store %arg18[%swap3A_253], %mul3A_252 {strides = array<i32>} : memref<80xf32, #tpu.memory_space<vmem>>, vector<16xf32>,
      %max3A_255 = arith.maximumf %scan3A_50#16, %scan3A_50#17 : vector<16xf32>
      %max3A_256 = arith.maximumf %scan3A_50#18, %scan3A_50#19 : vector<16xf32>
      %max3A_257 = arith.maximumf %max3A_255, %max3A_256 : vector<16xf32>
      %sub3A_258 = arith.subf %scan3A_50#16, %max3A_257 : vector<16xf32>
      %exp3A_259 = math.exp %sub3A_258 : vector<16xf32>
      %sub3A_260 = arith.subf %scan3A_50#17, %max3A_257 : vector<16xf32>
      %exp3A_261 = math.exp %sub3A_260 : vector<16xf32>
      %sub3A_262 = arith.subf %scan3A_50#18, %max3A_257 : vector<16xf32>
      %exp3A_263 = math.exp %sub3A_262 : vector<16xf32>
      %sub3A_264 = arith.subf %scan3A_50#19, %max3A_257 : vector<16xf32>
      %exp3A_265 = math.exp %sub3A_264 : vector<16xf32>
      %add3A_266 = arith.addf %exp3A_259, %exp3A_261 : vector<16xf32>
      %add3A_267 = arith.addf %add3A_266, %exp3A_263 : vector<16xf32>
      %add3A_268 = arith.addf %add3A_267, %exp3A_265 : vector<16xf32>
      %div3A_269 = arith.constant 1.000000e+00 : f32
      %div3A_270 = vector.broadcast %div3A_269 : f32 to vector<16xf32>
      %div3A_271 = arith.divf %div3A_270, %add3A_268 : vector<16xf32>
      %mul3A_272 = arith.mulf %exp3A_259, %div3A_271 : vector<16xf32>
      %swap3A_273 = arith.constant 0 : i32
      %swap3A_274 = arith.index_cast %swap3A_273 : i32 to index
      %swap3A_275 = arith.constant 64 : index
      %swap3A_276 = tpu.vector_load %arg17[%swap3A_274, %swap3A_275] {strides = array<i32>} : memref<4x80xf32, #tpu.memory_space<vmem>>, vector<16xf32>,
      tpu.vector_store %arg17[%swap3A_274, %swap3A_275], %mul3A_272 {strides = array<i32>} : memref<4x80xf32, #tpu.memory_space<vmem>>, vector<16xf32>,
      %mul3A_277 = arith.mulf %exp3A_261, %div3A_271 : vector<16xf32>
      %swap3A_278 = arith.constant 1 : i32
      %swap3A_279 = arith.index_cast %swap3A_278 : i32 to index
      %swap3A_280 = arith.constant 64 : index
      %swap3A_281 = tpu.vector_load %arg17[%swap3A_279, %swap3A_280] {strides = array<i32>} : memref<4x80xf32, #tpu.memory_space<vmem>>, vector<16xf32>,
      tpu.vector_store %arg17[%swap3A_279, %swap3A_280], %mul3A_277 {strides = array<i32>} : memref<4x80xf32, #tpu.memory_space<vmem>>, vector<16xf32>,
      %mul3A_282 = arith.mulf %exp3A_263, %div3A_271 : vector<16xf32>
      %swap3A_283 = arith.constant 2 : i32
      %swap3A_284 = arith.index_cast %swap3A_283 : i32 to index
      %swap3A_285 = arith.constant 64 : index
      %swap3A_286 = tpu.vector_load %arg17[%swap3A_284, %swap3A_285] {strides = array<i32>} : memref<4x80xf32, #tpu.memory_space<vmem>>, vector<16xf32>,
      tpu.vector_store %arg17[%swap3A_284, %swap3A_285], %mul3A_282 {strides = array<i32>} : memref<4x80xf32, #tpu.memory_space<vmem>>, vector<16xf32>,
      %mul3A_287 = arith.mulf %exp3A_265, %div3A_271 : vector<16xf32>
      %swap3A_288 = arith.constant 3 : i32
      %swap3A_289 = arith.index_cast %swap3A_288 : i32 to index
      %swap3A_290 = arith.constant 64 : index
      %swap3A_291 = tpu.vector_load %arg17[%swap3A_289, %swap3A_290] {strides = array<i32>} : memref<4x80xf32, #tpu.memory_space<vmem>>, vector<16xf32>,
      tpu.vector_store %arg17[%swap3A_289, %swap3A_290], %mul3A_287 {strides = array<i32>} : memref<4x80xf32, #tpu.memory_space<vmem>>, vector<16xf32>,
      %mul3A_292 = arith.constant 2.000000e+00 : f32
      %mul3A_293 = vector.broadcast %mul3A_292 : f32 to vector<16xf32>
      %mul3A_294 = arith.mulf %mul3A_293, %exp3A_261 : vector<16xf32>
      %add3A_295 = arith.addf %exp3A_259, %mul3A_294 : vector<16xf32>
      %mul3A_296 = arith.constant 3.000000e+00 : f32
      %mul3A_297 = vector.broadcast %mul3A_296 : f32 to vector<16xf32>
      %mul3A_298 = arith.mulf %mul3A_297, %exp3A_263 : vector<16xf32>
      %add3A_299 = arith.addf %add3A_295, %mul3A_298 : vector<16xf32>
      %mul3A_300 = arith.constant 1.500000e+00 : f32
      %mul3A_301 = vector.broadcast %mul3A_300 : f32 to vector<16xf32>
      %mul3A_302 = arith.mulf %mul3A_301, %exp3A_265 : vector<16xf32>
      %add3A_303 = arith.addf %add3A_299, %mul3A_302 : vector<16xf32>
      %mul3A_304 = arith.mulf %add3A_303, %div3A_271 : vector<16xf32>
      %swap3A_305 = arith.constant 64 : index
      %swap3A_306 = tpu.vector_load %arg18[%swap3A_305] {strides = array<i32>} : memref<80xf32, #tpu.memory_space<vmem>>, vector<16xf32>,
      tpu.vector_store %arg18[%swap3A_305], %mul3A_304 {strides = array<i32>} : memref<80xf32, #tpu.memory_space<vmem>>, vector<16xf32>,
      %add3A_307 = arith.addi %mul3A_2, %mul3A_18 : i32
      %run_scoped3A = arith.constant 0 : i32
      %run_scoped3A_308 = arith.constant 0 : i32
      "tpu.region"() ({
        %run_scoped3A_318 = tpu.sem_alloc : memref<!tpu.dma_semaphore, #tpu.memory_space<semaphore_mem>>
        %dma_start3A_319 = arith.constant 0 : i32
        %dma_start3A_320 = tpu.memref_slice %arg17[%run_scoped3A, %dma_start3A_319] : memref<4x80xf32, #tpu.memory_space<vmem>> -> memref<1x80xf32, #tpu.memory_space<vmem>>
        %dma_start3A_321 = tpu.memref_squeeze %dma_start3A_320 : memref<1x80xf32, #tpu.memory_space<vmem>> -> memref<80xf32, #tpu.memory_space<vmem>>
        %dma_start3A_322 = tpu.memref_slice %arg9[%run_scoped3A_308, %add3A_307] : memref<4x320000xf32, #tpu.memory_space<hbm>> -> memref<1x80xf32, #tpu.memory_space<hbm>>
        %dma_start3A_323 = tpu.memref_squeeze %dma_start3A_322 : memref<1x80xf32, #tpu.memory_space<hbm>> -> memref<80xf32, #tpu.memory_space<hbm>>
        %dma_start3A_324 = tpu.memref_slice %arg9[%run_scoped3A_308, %add3A_307] : memref<4x320000xf32, #tpu.memory_space<hbm>> -> memref<1x80xf32, #tpu.memory_space<hbm>>
        %dma_start3A_325 = tpu.memref_squeeze %dma_start3A_324 : memref<1x80xf32, #tpu.memory_space<hbm>> -> memref<80xf32, #tpu.memory_space<hbm>>
        %dma_start3A_326 = arith.constant 0 : i32
        %dma_start3A_327 = tpu.memref_slice %arg17[%run_scoped3A, %dma_start3A_326] : memref<4x80xf32, #tpu.memory_space<vmem>> -> memref<1x80xf32, #tpu.memory_space<vmem>>
        %dma_start3A_328 = tpu.memref_squeeze %dma_start3A_327 : memref<1x80xf32, #tpu.memory_space<vmem>> -> memref<80xf32, #tpu.memory_space<vmem>>
        tpu.enqueue_dma source(%dma_start3A_328 : memref<80xf32, #tpu.memory_space<vmem>>) target(%dma_start3A_325 : memref<80xf32, #tpu.memory_space<hbm>>) target_semaphore(%run_scoped3A_318 : memref<!tpu.dma_semaphore, #tpu.memory_space<semaphore_mem>>)
        %dma_wait3A_329 = arith.constant 0 : i32
        %dma_wait3A_330 = tpu.memref_slice %arg17[%run_scoped3A, %dma_wait3A_329] : memref<4x80xf32, #tpu.memory_space<vmem>> -> memref<1x80xf32, #tpu.memory_space<vmem>>
        %dma_wait3A_331 = tpu.memref_squeeze %dma_wait3A_330 : memref<1x80xf32, #tpu.memory_space<vmem>> -> memref<80xf32, #tpu.memory_space<vmem>>
        %dma_wait3A_332 = tpu.memref_slice %arg9[%run_scoped3A_308, %add3A_307] : memref<4x320000xf32, #tpu.memory_space<hbm>> -> memref<1x80xf32, #tpu.memory_space<hbm>>
        %dma_wait3A_333 = tpu.memref_squeeze %dma_wait3A_332 : memref<1x80xf32, #tpu.memory_space<hbm>> -> memref<80xf32, #tpu.memory_space<hbm>>
        %dma_wait3A_334 = tpu.memref_slice %arg9[%run_scoped3A_308, %add3A_307] : memref<4x320000xf32, #tpu.memory_space<hbm>> -> memref<1x80xf32, #tpu.memory_space<hbm>>
        %dma_wait3A_335 = tpu.memref_squeeze %dma_wait3A_334 : memref<1x80xf32, #tpu.memory_space<hbm>> -> memref<80xf32, #tpu.memory_space<hbm>>
        %dma_wait3A_336 = arith.constant 0 : i32
        %dma_wait3A_337 = tpu.memref_slice %arg17[%run_scoped3A, %dma_wait3A_336] : memref<4x80xf32, #tpu.memory_space<vmem>> -> memref<1x80xf32, #tpu.memory_space<vmem>>
        %dma_wait3A_338 = tpu.memref_squeeze %dma_wait3A_337 : memref<1x80xf32, #tpu.memory_space<vmem>> -> memref<80xf32, #tpu.memory_space<vmem>>
        tpu.wait_dma2 semaphore(%run_scoped3A_318 : memref<!tpu.dma_semaphore, #tpu.memory_space<semaphore_mem>>) src(%dma_wait3A_338 : memref<80xf32, #tpu.memory_space<vmem>>) dst(%dma_wait3A_335 : memref<80xf32, #tpu.memory_space<hbm>>)
        tpu.yield
      }) : () -> ()
      %add3A_309 = arith.addi %mul3A_2, %mul3A_18 : i32
      %run_scoped3A_310 = arith.constant 1 : i32
      %run_scoped3A_311 = arith.constant 1 : i32
      "tpu.region"() ({
        %run_scoped3A_318 = tpu.sem_alloc : memref<!tpu.dma_semaphore, #tpu.memory_space<semaphore_mem>>
        %dma_start3A_319 = arith.constant 0 : i32
        %dma_start3A_320 = tpu.memref_slice %arg17[%run_scoped3A_310, %dma_start3A_319] : memref<4x80xf32, #tpu.memory_space<vmem>> -> memref<1x80xf32, #tpu.memory_space<vmem>>
        %dma_start3A_321 = tpu.memref_squeeze %dma_start3A_320 : memref<1x80xf32, #tpu.memory_space<vmem>> -> memref<80xf32, #tpu.memory_space<vmem>>
        %dma_start3A_322 = tpu.memref_slice %arg9[%run_scoped3A_311, %add3A_309] : memref<4x320000xf32, #tpu.memory_space<hbm>> -> memref<1x80xf32, #tpu.memory_space<hbm>>
        %dma_start3A_323 = tpu.memref_squeeze %dma_start3A_322 : memref<1x80xf32, #tpu.memory_space<hbm>> -> memref<80xf32, #tpu.memory_space<hbm>>
        %dma_start3A_324 = tpu.memref_slice %arg9[%run_scoped3A_311, %add3A_309] : memref<4x320000xf32, #tpu.memory_space<hbm>> -> memref<1x80xf32, #tpu.memory_space<hbm>>
        %dma_start3A_325 = tpu.memref_squeeze %dma_start3A_324 : memref<1x80xf32, #tpu.memory_space<hbm>> -> memref<80xf32, #tpu.memory_space<hbm>>
        %dma_start3A_326 = arith.constant 0 : i32
        %dma_start3A_327 = tpu.memref_slice %arg17[%run_scoped3A_310, %dma_start3A_326] : memref<4x80xf32, #tpu.memory_space<vmem>> -> memref<1x80xf32, #tpu.memory_space<vmem>>
        %dma_start3A_328 = tpu.memref_squeeze %dma_start3A_327 : memref<1x80xf32, #tpu.memory_space<vmem>> -> memref<80xf32, #tpu.memory_space<vmem>>
        tpu.enqueue_dma source(%dma_start3A_328 : memref<80xf32, #tpu.memory_space<vmem>>) target(%dma_start3A_325 : memref<80xf32, #tpu.memory_space<hbm>>) target_semaphore(%run_scoped3A_318 : memref<!tpu.dma_semaphore, #tpu.memory_space<semaphore_mem>>)
        %dma_wait3A_329 = arith.constant 0 : i32
        %dma_wait3A_330 = tpu.memref_slice %arg17[%run_scoped3A_310, %dma_wait3A_329] : memref<4x80xf32, #tpu.memory_space<vmem>> -> memref<1x80xf32, #tpu.memory_space<vmem>>
        %dma_wait3A_331 = tpu.memref_squeeze %dma_wait3A_330 : memref<1x80xf32, #tpu.memory_space<vmem>> -> memref<80xf32, #tpu.memory_space<vmem>>
        %dma_wait3A_332 = tpu.memref_slice %arg9[%run_scoped3A_311, %add3A_309] : memref<4x320000xf32, #tpu.memory_space<hbm>> -> memref<1x80xf32, #tpu.memory_space<hbm>>
        %dma_wait3A_333 = tpu.memref_squeeze %dma_wait3A_332 : memref<1x80xf32, #tpu.memory_space<hbm>> -> memref<80xf32, #tpu.memory_space<hbm>>
        %dma_wait3A_334 = tpu.memref_slice %arg9[%run_scoped3A_311, %add3A_309] : memref<4x320000xf32, #tpu.memory_space<hbm>> -> memref<1x80xf32, #tpu.memory_space<hbm>>
        %dma_wait3A_335 = tpu.memref_squeeze %dma_wait3A_334 : memref<1x80xf32, #tpu.memory_space<hbm>> -> memref<80xf32, #tpu.memory_space<hbm>>
        %dma_wait3A_336 = arith.constant 0 : i32
        %dma_wait3A_337 = tpu.memref_slice %arg17[%run_scoped3A_310, %dma_wait3A_336] : memref<4x80xf32, #tpu.memory_space<vmem>> -> memref<1x80xf32, #tpu.memory_space<vmem>>
        %dma_wait3A_338 = tpu.memref_squeeze %dma_wait3A_337 : memref<1x80xf32, #tpu.memory_space<vmem>> -> memref<80xf32, #tpu.memory_space<vmem>>
        tpu.wait_dma2 semaphore(%run_scoped3A_318 : memref<!tpu.dma_semaphore, #tpu.memory_space<semaphore_mem>>) src(%dma_wait3A_338 : memref<80xf32, #tpu.memory_space<vmem>>) dst(%dma_wait3A_335 : memref<80xf32, #tpu.memory_space<hbm>>)
        tpu.yield
      }) : () -> ()
      %add3A_312 = arith.addi %mul3A_2, %mul3A_18 : i32
      %run_scoped3A_313 = arith.constant 2 : i32
      %run_scoped3A_314 = arith.constant 2 : i32
      "tpu.region"() ({
        %run_scoped3A_318 = tpu.sem_alloc : memref<!tpu.dma_semaphore, #tpu.memory_space<semaphore_mem>>
        %dma_start3A_319 = arith.constant 0 : i32
        %dma_start3A_320 = tpu.memref_slice %arg17[%run_scoped3A_313, %dma_start3A_319] : memref<4x80xf32, #tpu.memory_space<vmem>> -> memref<1x80xf32, #tpu.memory_space<vmem>>
        %dma_start3A_321 = tpu.memref_squeeze %dma_start3A_320 : memref<1x80xf32, #tpu.memory_space<vmem>> -> memref<80xf32, #tpu.memory_space<vmem>>
        %dma_start3A_322 = tpu.memref_slice %arg9[%run_scoped3A_314, %add3A_312] : memref<4x320000xf32, #tpu.memory_space<hbm>> -> memref<1x80xf32, #tpu.memory_space<hbm>>
        %dma_start3A_323 = tpu.memref_squeeze %dma_start3A_322 : memref<1x80xf32, #tpu.memory_space<hbm>> -> memref<80xf32, #tpu.memory_space<hbm>>
        %dma_start3A_324 = tpu.memref_slice %arg9[%run_scoped3A_314, %add3A_312] : memref<4x320000xf32, #tpu.memory_space<hbm>> -> memref<1x80xf32, #tpu.memory_space<hbm>>
        %dma_start3A_325 = tpu.memref_squeeze %dma_start3A_324 : memref<1x80xf32, #tpu.memory_space<hbm>> -> memref<80xf32, #tpu.memory_space<hbm>>
        %dma_start3A_326 = arith.constant 0 : i32
        %dma_start3A_327 = tpu.memref_slice %arg17[%run_scoped3A_313, %dma_start3A_326] : memref<4x80xf32, #tpu.memory_space<vmem>> -> memref<1x80xf32, #tpu.memory_space<vmem>>
        %dma_start3A_328 = tpu.memref_squeeze %dma_start3A_327 : memref<1x80xf32, #tpu.memory_space<vmem>> -> memref<80xf32, #tpu.memory_space<vmem>>
        tpu.enqueue_dma source(%dma_start3A_328 : memref<80xf32, #tpu.memory_space<vmem>>) target(%dma_start3A_325 : memref<80xf32, #tpu.memory_space<hbm>>) target_semaphore(%run_scoped3A_318 : memref<!tpu.dma_semaphore, #tpu.memory_space<semaphore_mem>>)
        %dma_wait3A_329 = arith.constant 0 : i32
        %dma_wait3A_330 = tpu.memref_slice %arg17[%run_scoped3A_313, %dma_wait3A_329] : memref<4x80xf32, #tpu.memory_space<vmem>> -> memref<1x80xf32, #tpu.memory_space<vmem>>
        %dma_wait3A_331 = tpu.memref_squeeze %dma_wait3A_330 : memref<1x80xf32, #tpu.memory_space<vmem>> -> memref<80xf32, #tpu.memory_space<vmem>>
        %dma_wait3A_332 = tpu.memref_slice %arg9[%run_scoped3A_314, %add3A_312] : memref<4x320000xf32, #tpu.memory_space<hbm>> -> memref<1x80xf32, #tpu.memory_space<hbm>>
        %dma_wait3A_333 = tpu.memref_squeeze %dma_wait3A_332 : memref<1x80xf32, #tpu.memory_space<hbm>> -> memref<80xf32, #tpu.memory_space<hbm>>
        %dma_wait3A_334 = tpu.memref_slice %arg9[%run_scoped3A_314, %add3A_312] : memref<4x320000xf32, #tpu.memory_space<hbm>> -> memref<1x80xf32, #tpu.memory_space<hbm>>
        %dma_wait3A_335 = tpu.memref_squeeze %dma_wait3A_334 : memref<1x80xf32, #tpu.memory_space<hbm>> -> memref<80xf32, #tpu.memory_space<hbm>>
        %dma_wait3A_336 = arith.constant 0 : i32
        %dma_wait3A_337 = tpu.memref_slice %arg17[%run_scoped3A_313, %dma_wait3A_336] : memref<4x80xf32, #tpu.memory_space<vmem>> -> memref<1x80xf32, #tpu.memory_space<vmem>>
        %dma_wait3A_338 = tpu.memref_squeeze %dma_wait3A_337 : memref<1x80xf32, #tpu.memory_space<vmem>> -> memref<80xf32, #tpu.memory_space<vmem>>
        tpu.wait_dma2 semaphore(%run_scoped3A_318 : memref<!tpu.dma_semaphore, #tpu.memory_space<semaphore_mem>>) src(%dma_wait3A_338 : memref<80xf32, #tpu.memory_space<vmem>>) dst(%dma_wait3A_335 : memref<80xf32, #tpu.memory_space<hbm>>)
        tpu.yield
      }) : () -> ()
      %add3A_315 = arith.addi %mul3A_2, %mul3A_18 : i32
      %run_scoped3A_316 = arith.constant 3 : i32
      %run_scoped3A_317 = arith.constant 3 : i32
      "tpu.region"() ({
        %run_scoped3A_318 = tpu.sem_alloc : memref<!tpu.dma_semaphore, #tpu.memory_space<semaphore_mem>>
        %dma_start3A_319 = arith.constant 0 : i32
        %dma_start3A_320 = tpu.memref_slice %arg17[%run_scoped3A_316, %dma_start3A_319] : memref<4x80xf32, #tpu.memory_space<vmem>> -> memref<1x80xf32, #tpu.memory_space<vmem>>
        %dma_start3A_321 = tpu.memref_squeeze %dma_start3A_320 : memref<1x80xf32, #tpu.memory_space<vmem>> -> memref<80xf32, #tpu.memory_space<vmem>>
        %dma_start3A_322 = tpu.memref_slice %arg9[%run_scoped3A_317, %add3A_315] : memref<4x320000xf32, #tpu.memory_space<hbm>> -> memref<1x80xf32, #tpu.memory_space<hbm>>
        %dma_start3A_323 = tpu.memref_squeeze %dma_start3A_322 : memref<1x80xf32, #tpu.memory_space<hbm>> -> memref<80xf32, #tpu.memory_space<hbm>>
        %dma_start3A_324 = tpu.memref_slice %arg9[%run_scoped3A_317, %add3A_315] : memref<4x320000xf32, #tpu.memory_space<hbm>> -> memref<1x80xf32, #tpu.memory_space<hbm>>
        %dma_start3A_325 = tpu.memref_squeeze %dma_start3A_324 : memref<1x80xf32, #tpu.memory_space<hbm>> -> memref<80xf32, #tpu.memory_space<hbm>>
        %dma_start3A_326 = arith.constant 0 : i32
        %dma_start3A_327 = tpu.memref_slice %arg17[%run_scoped3A_316, %dma_start3A_326] : memref<4x80xf32, #tpu.memory_space<vmem>> -> memref<1x80xf32, #tpu.memory_space<vmem>>
        %dma_start3A_328 = tpu.memref_squeeze %dma_start3A_327 : memref<1x80xf32, #tpu.memory_space<vmem>> -> memref<80xf32, #tpu.memory_space<vmem>>
        tpu.enqueue_dma source(%dma_start3A_328 : memref<80xf32, #tpu.memory_space<vmem>>) target(%dma_start3A_325 : memref<80xf32, #tpu.memory_space<hbm>>) target_semaphore(%run_scoped3A_318 : memref<!tpu.dma_semaphore, #tpu.memory_space<semaphore_mem>>)
        %dma_wait3A_329 = arith.constant 0 : i32
        %dma_wait3A_330 = tpu.memref_slice %arg17[%run_scoped3A_316, %dma_wait3A_329] : memref<4x80xf32, #tpu.memory_space<vmem>> -> memref<1x80xf32, #tpu.memory_space<vmem>>
        %dma_wait3A_331 = tpu.memref_squeeze %dma_wait3A_330 : memref<1x80xf32, #tpu.memory_space<vmem>> -> memref<80xf32, #tpu.memory_space<vmem>>
        %dma_wait3A_332 = tpu.memref_slice %arg9[%run_scoped3A_317, %add3A_315] : memref<4x320000xf32, #tpu.memory_space<hbm>> -> memref<1x80xf32, #tpu.memory_space<hbm>>
        %dma_wait3A_333 = tpu.memref_squeeze %dma_wait3A_332 : memref<1x80xf32, #tpu.memory_space<hbm>> -> memref<80xf32, #tpu.memory_space<hbm>>
        %dma_wait3A_334 = tpu.memref_slice %arg9[%run_scoped3A_317, %add3A_315] : memref<4x320000xf32, #tpu.memory_space<hbm>> -> memref<1x80xf32, #tpu.memory_space<hbm>>
        %dma_wait3A_335 = tpu.memref_squeeze %dma_wait3A_334 : memref<1x80xf32, #tpu.memory_space<hbm>> -> memref<80xf32, #tpu.memory_space<hbm>>
        %dma_wait3A_336 = arith.constant 0 : i32
        %dma_wait3A_337 = tpu.memref_slice %arg17[%run_scoped3A_316, %dma_wait3A_336] : memref<4x80xf32, #tpu.memory_space<vmem>> -> memref<1x80xf32, #tpu.memory_space<vmem>>
        %dma_wait3A_338 = tpu.memref_squeeze %dma_wait3A_337 : memref<1x80xf32, #tpu.memory_space<vmem>> -> memref<80xf32, #tpu.memory_space<vmem>>
        tpu.wait_dma2 semaphore(%run_scoped3A_318 : memref<!tpu.dma_semaphore, #tpu.memory_space<semaphore_mem>>) src(%dma_wait3A_338 : memref<80xf32, #tpu.memory_space<vmem>>) dst(%dma_wait3A_335 : memref<80xf32, #tpu.memory_space<hbm>>)
        tpu.yield
      }) : () -> ()
      "tpu.region"() ({
        %run_scoped3A_318 = tpu.sem_alloc : memref<!tpu.dma_semaphore, #tpu.memory_space<semaphore_mem>>
        %dma_start3A_319 = arith.constant 0 : i32
        %dma_start3A_320 = tpu.memref_slice %arg19[%dma_start3A_319] : memref<10000xf32, #tpu.memory_space<vmem_shared>> -> memref<10000xf32, #tpu.memory_space<vmem_shared>>
        tpu.enqueue_indirect_dma source(%arg18 : memref<80xf32, #tpu.memory_space<vmem>>) target(%dma_start3A_320 : memref<10000xf32, #tpu.memory_space<vmem_shared>>) offsets(%arg11 : memref<80xi32, #tpu.memory_space<vmem>>) semaphore(%run_scoped3A_318 : memref<!tpu.dma_semaphore, #tpu.memory_space<semaphore_mem>>) {add = true}
        %dma_wait3A_321 = arith.constant 0 : i32
        %dma_wait3A_322 = tpu.memref_slice %arg19[%dma_wait3A_321] : memref<10000xf32, #tpu.memory_space<vmem_shared>> -> memref<10000xf32, #tpu.memory_space<vmem_shared>>
        tpu.wait_indirect_dma semaphore(%run_scoped3A_318 : memref<!tpu.dma_semaphore, #tpu.memory_space<semaphore_mem>>) src(%arg18 : memref<80xf32, #tpu.memory_space<vmem>>) dst(%dma_wait3A_322 : memref<10000xf32, #tpu.memory_space<vmem_shared>>)
        tpu.yield
      }) : () -> ()
    }
    %scan3A_9 = arith.constant 125 : i32
    %barrier3A_10 = arith.constant 0 : index
    tpu.barrier barrier_id(%barrier3A_10)
    %eq3A_11 = arith.constant 0 : i32
    %eq3A_12 = arith.cmpi eq, %arg1, %eq3A_11 : i32
    %convert_element_type3A_13 = arith.extui %eq3A_12 : i1 to i32
    %cond3A_14 = arith.constant 0 : i32
    %cond3A_15 = arith.cmpi ne, %convert_element_type3A_13, %cond3A_14 : i32
    scf.if %cond3A_15 {
      "tpu.region"() ({
        %run_scoped3A = tpu.sem_alloc : memref<!tpu.dma_semaphore, #tpu.memory_space<semaphore_mem>>
        %dma_start3A = arith.constant 0 : i32
        %dma_start3A_16 = tpu.memref_slice %arg10[%arg0, %dma_start3A] : memref<2x10000xf32, #tpu.memory_space<hbm>> -> memref<1x10000xf32, #tpu.memory_space<hbm>>
        %dma_start3A_17 = tpu.memref_squeeze %dma_start3A_16 : memref<1x10000xf32, #tpu.memory_space<hbm>> -> memref<10000xf32, #tpu.memory_space<hbm>>
        tpu.enqueue_dma source(%arg19 : memref<10000xf32, #tpu.memory_space<vmem_shared>>) target(%dma_start3A_17 : memref<10000xf32, #tpu.memory_space<hbm>>) target_semaphore(%run_scoped3A : memref<!tpu.dma_semaphore, #tpu.memory_space<semaphore_mem>>)
        %dma_wait3A = arith.constant 0 : i32
        %dma_wait3A_18 = tpu.memref_slice %arg10[%arg0, %dma_wait3A] : memref<2x10000xf32, #tpu.memory_space<hbm>> -> memref<1x10000xf32, #tpu.memory_space<hbm>>
        %dma_wait3A_19 = tpu.memref_squeeze %dma_wait3A_18 : memref<1x10000xf32, #tpu.memory_space<hbm>> -> memref<10000xf32, #tpu.memory_space<hbm>>
        tpu.wait_dma2 semaphore(%run_scoped3A : memref<!tpu.dma_semaphore, #tpu.memory_space<semaphore_mem>>) src(%arg19 : memref<10000xf32, #tpu.memory_space<vmem_shared>>) dst(%dma_wait3A_19 : memref<10000xf32, #tpu.memory_space<hbm>>)
        tpu.yield
      }) : () -> ()
    } else {
    }
    return
  }
}

module attributes {stable_mosaic.version = 14 : i64} {
  func.func @_node_dense_body(%arg0: memref<10000x128xf32, #tpu.memory_space<vmem>>, %arg1: memref<128x32xf32, #tpu.memory_space<vmem>>, %arg2: memref<1x32xf32, #tpu.memory_space<vmem>>, %arg3: memref<32x8xf32, #tpu.memory_space<vmem>>, %arg4: memref<1x8xf32, #tpu.memory_space<vmem>>, %arg5: memref<128x32xf32, #tpu.memory_space<vmem>>, %arg6: memref<128x32xf32, #tpu.memory_space<vmem>>, %arg7: memref<1x32xf32, #tpu.memory_space<vmem>>, %arg8: memref<10000x8xf32, #tpu.memory_space<vmem>>, %arg9: memref<10000x32xf32, #tpu.memory_space<vmem>>, %arg10: memref<10000x32xf32, #tpu.memory_space<vmem>>) attributes {dimension_semantics = [], scalar_prefetch = 0 : i64, scratch_operands = 0 : i64, tpu.core_type = #tpu.core_type<tc>} {
    %get3A = arith.constant 0 : index
    %get3A_0 = arith.constant 0 : index
    %get3A_1 = vector.load %arg0[%get3A, %get3A_0] : memref<10000x128xf32, #tpu.memory_space<vmem>>, vector<10000x128xf32>
    %get3A_2 = arith.constant 0 : index
    %get3A_3 = arith.constant 0 : index
    %get3A_4 = vector.load %arg1[%get3A_2, %get3A_3] : memref<128x32xf32, #tpu.memory_space<vmem>>, vector<128x32xf32>
    %dot_general3A = arith.constant dense<0.000000e+00> : vector<10000x32xf32>
    %dot_general3A_5 = tpu.matmul %get3A_1, %get3A_4, %dot_general3A {dimension_numbers = #tpu.dot_dimension_numbers<[1], [0], [0], [1], [0, 0, 1, 1], [], []>, transpose_lhs_hint = false} : vector<10000x128xf32>, vector<128x32xf32>, vector<10000x32xf32> -> vector<10000x32xf32>
    %get3A_6 = arith.constant 0 : index
    %get3A_7 = arith.constant 0 : index
    %get3A_8 = vector.load %arg2[%get3A_6, %get3A_7] : memref<1x32xf32, #tpu.memory_space<vmem>>, vector<1x32xf32>
    %add3A = vector.broadcast %get3A_8 : vector<1x32xf32> to vector<10000x32xf32>
    %add3A_9 = arith.addf %dot_general3A_5, %add3A : vector<10000x32xf32>
    %max3A = arith.constant 0.000000e+00 : f32
    %max3A_10 = vector.broadcast %max3A : f32 to vector<10000x32xf32>
    %max3A_11 = arith.maximumf %add3A_9, %max3A_10 : vector<10000x32xf32>
    %get3A_12 = arith.constant 0 : index
    %get3A_13 = arith.constant 0 : index
    %get3A_14 = vector.load %arg3[%get3A_12, %get3A_13] : memref<32x8xf32, #tpu.memory_space<vmem>>, vector<32x8xf32>
    %dot_general3A_15 = arith.constant dense<0.000000e+00> : vector<10000x8xf32>
    %dot_general3A_16 = tpu.matmul %max3A_11, %get3A_14, %dot_general3A_15 {dimension_numbers = #tpu.dot_dimension_numbers<[1], [0], [0], [1], [0, 0, 1, 1], [], []>, transpose_lhs_hint = false} : vector<10000x32xf32>, vector<32x8xf32>, vector<10000x8xf32> -> vector<10000x8xf32>
    %get3A_17 = arith.constant 0 : index
    %get3A_18 = arith.constant 0 : index
    %get3A_19 = vector.load %arg4[%get3A_17, %get3A_18] : memref<1x8xf32, #tpu.memory_space<vmem>>, vector<1x8xf32>
    %add3A_20 = vector.broadcast %get3A_19 : vector<1x8xf32> to vector<10000x8xf32>
    %add3A_21 = arith.addf %dot_general3A_16, %add3A_20 : vector<10000x8xf32>
    %reduce_max3A = arith.constant dense<0xFF800000> : vector<10000xf32>
    %reduce_max3A_22 = vector.multi_reduction <maximumf>, %add3A_21, %reduce_max3A [1] : vector<10000x8xf32> to vector<10000xf32>
    %broadcast_in_dim3A = vector.shape_cast %reduce_max3A_22 : vector<10000xf32> to vector<10000x1xf32>
    %sub3A = vector.broadcast %broadcast_in_dim3A : vector<10000x1xf32> to vector<10000x8xf32>
    %sub3A_23 = arith.subf %add3A_21, %sub3A : vector<10000x8xf32>
    %exp3A = math.exp %sub3A_23 : vector<10000x8xf32>
    %reduce_sum3A = arith.constant dense<0.000000e+00> : vector<10000xf32>
    %reduce_sum3A_24 = vector.multi_reduction <add>, %exp3A, %reduce_sum3A [1] : vector<10000x8xf32> to vector<10000xf32>
    %broadcast_in_dim3A_25 = vector.shape_cast %reduce_sum3A_24 : vector<10000xf32> to vector<10000x1xf32>
    %div3A = vector.broadcast %broadcast_in_dim3A_25 : vector<10000x1xf32> to vector<10000x8xf32>
    %div3A_26 = arith.divf %exp3A, %div3A : vector<10000x8xf32>
    %swap3A = arith.constant 0 : index
    %swap3A_27 = arith.constant 0 : index
    %swap3A_28 = vector.load %arg8[%swap3A, %swap3A_27] : memref<10000x8xf32, #tpu.memory_space<vmem>>, vector<10000x8xf32>
    tpu.vector_store %arg8[%swap3A, %swap3A_27], %div3A_26 {strides = array<i32>} : memref<10000x8xf32, #tpu.memory_space<vmem>>, vector<10000x8xf32>,
    %get3A_29 = arith.constant 0 : index
    %get3A_30 = arith.constant 0 : index
    %get3A_31 = vector.load %arg5[%get3A_29, %get3A_30] : memref<128x32xf32, #tpu.memory_space<vmem>>, vector<128x32xf32>
    %dot_general3A_32 = arith.constant dense<0.000000e+00> : vector<10000x32xf32>
    %dot_general3A_33 = tpu.matmul %get3A_1, %get3A_31, %dot_general3A_32 {dimension_numbers = #tpu.dot_dimension_numbers<[1], [0], [0], [1], [0, 0, 1, 1], [], []>, transpose_lhs_hint = false} : vector<10000x128xf32>, vector<128x32xf32>, vector<10000x32xf32> -> vector<10000x32xf32>
    %get3A_34 = arith.constant 0 : index
    %get3A_35 = arith.constant 0 : index
    %get3A_36 = vector.load %arg7[%get3A_34, %get3A_35] : memref<1x32xf32, #tpu.memory_space<vmem>>, vector<1x32xf32>
    %add3A_37 = vector.broadcast %get3A_36 : vector<1x32xf32> to vector<10000x32xf32>
    %add3A_38 = arith.addf %dot_general3A_33, %add3A_37 : vector<10000x32xf32>
    %swap3A_39 = arith.constant 0 : index
    %swap3A_40 = arith.constant 0 : index
    %swap3A_41 = vector.load %arg9[%swap3A_39, %swap3A_40] : memref<10000x32xf32, #tpu.memory_space<vmem>>, vector<10000x32xf32>
    tpu.vector_store %arg9[%swap3A_39, %swap3A_40], %add3A_38 {strides = array<i32>} : memref<10000x32xf32, #tpu.memory_space<vmem>>, vector<10000x32xf32>,
    %get3A_42 = arith.constant 0 : index
    %get3A_43 = arith.constant 0 : index
    %get3A_44 = vector.load %arg6[%get3A_42, %get3A_43] : memref<128x32xf32, #tpu.memory_space<vmem>>, vector<128x32xf32>
    %dot_general3A_45 = arith.constant dense<0.000000e+00> : vector<10000x32xf32>
    %dot_general3A_46 = tpu.matmul %get3A_1, %get3A_44, %dot_general3A_45 {dimension_numbers = #tpu.dot_dimension_numbers<[1], [0], [0], [1], [0, 0, 1, 1], [], []>, transpose_lhs_hint = false} : vector<10000x128xf32>, vector<128x32xf32>, vector<10000x32xf32> -> vector<10000x32xf32>
    %swap3A_47 = arith.constant 0 : index
    %swap3A_48 = arith.constant 0 : index
    %swap3A_49 = vector.load %arg10[%swap3A_47, %swap3A_48] : memref<10000x32xf32, #tpu.memory_space<vmem>>, vector<10000x32xf32>
    tpu.vector_store %arg10[%swap3A_47, %swap3A_48], %dot_general3A_46 {strides = array<i32>} : memref<10000x32xf32, #tpu.memory_space<vmem>>, vector<10000x32xf32>,
    return
  }
}

module attributes {stable_mosaic.version = 14 : i64} {
  func.func @_final_body(%arg0: memref<10000x8xf32, #tpu.memory_space<vmem>>, %arg1: memref<10000x2xf32, #tpu.memory_space<vmem>>, %arg2: memref<1x1xf32, #tpu.memory_space<smem>>) attributes {dimension_semantics = [], scalar_prefetch = 0 : i64, scratch_operands = 0 : i64, tpu.core_type = #tpu.core_type<tc>} {
    %get3A = arith.constant 0 : index
    %get3A_0 = arith.constant 0 : index
    %get3A_1 = vector.load %arg0[%get3A, %get3A_0] : memref<10000x8xf32, #tpu.memory_space<vmem>>, vector<10000x8xf32>
    %reduce_max3A = arith.constant dense<0xFF800000> : vector<10000xf32>
    %reduce_max3A_2 = vector.multi_reduction <maximumf>, %get3A_1, %reduce_max3A [1] : vector<10000x8xf32> to vector<10000xf32>
    %broadcast_in_dim3A = vector.shape_cast %reduce_max3A_2 : vector<10000xf32> to vector<10000x1xf32>
    %iota3A = tpu.iota {dimensions = array<i32: 1>} : vector<10000x8xi32>
    %convert_element_type3A = arith.sitofp %iota3A : vector<10000x8xi32> to vector<10000x8xf32>
    %eq3A = vector.broadcast %broadcast_in_dim3A : vector<10000x1xf32> to vector<10000x8xf32>
    %eq3A_3 = arith.cmpf oeq, %get3A_1, %eq3A : vector<10000x8xf32>
    %jit3A = arith.constant 8.000000e+00 : f32
    %broadcast_in_dim3A_4 = vector.broadcast %jit3A : f32 to vector<10000x8xf32>
    %select_n3A = arith.select %eq3A_3, %convert_element_type3A, %broadcast_in_dim3A_4 : vector<10000x8xi1>, vector<10000x8xf32>
    %reduce_min3A = arith.constant dense<0x7F800000> : vector<10000xf32>
    %reduce_min3A_5 = vector.multi_reduction <minimumf>, %select_n3A, %reduce_min3A [1] : vector<10000x8xf32> to vector<10000xf32>
    %broadcast_in_dim3A_6 = vector.shape_cast %reduce_min3A_5 : vector<10000xf32> to vector<10000x1xf32>
    %add3A = arith.constant 1.000000e+00 : f32
    %add3A_7 = vector.broadcast %add3A : f32 to vector<10000x1xf32>
    %add3A_8 = arith.addf %broadcast_in_dim3A_6, %add3A_7 : vector<10000x1xf32>
    %get3A_9 = arith.constant 0 : index
    %get3A_10 = arith.constant 0 : index
    %get3A_11 = vector.load %arg1[%get3A_9, %get3A_10] : memref<10000x2xf32, #tpu.memory_space<vmem>>, vector<10000x1xf32>
    %get3A_12 = arith.constant 0 : index
    %get3A_13 = arith.constant 1 : index
    %get3A_14 = vector.load %arg1[%get3A_12, %get3A_13] : memref<10000x2xf32, #tpu.memory_space<vmem>>, vector<10000x1xf32>
    %add3A_15 = arith.addf %get3A_11, %get3A_14 : vector<10000x1xf32>
    %sub3A = arith.subf %add3A_15, %add3A_8 : vector<10000x1xf32>
    %mul3A = arith.mulf %sub3A, %sub3A : vector<10000x1xf32>
    %reduce_sum3A = vector.shape_cast %mul3A : vector<10000x1xf32> to vector<1x10000x1xf32>
    %reduce_sum3A_16 = arith.constant dense<0.000000e+00> : vector<1xf32>
    %reduce_sum3A_17 = vector.multi_reduction <add>, %reduce_sum3A, %reduce_sum3A_16 [1, 2] : vector<1x10000x1xf32> to vector<1xf32>
    %reduce_sum3A_18 = vector.shape_cast %reduce_sum3A_17 : vector<1xf32> to vector<1x1x1xf32>
    %reduce_sum3A_19 = vector.extract %reduce_sum3A_18[0, 0, 0] : f32 from vector<1x1x1xf32>
    %mul3A_20 = arith.constant 9.99999974E-5 : f32
    %mul3A_21 = arith.mulf %reduce_sum3A_19, %mul3A_20 : f32
    %swap3A = arith.constant 0 : index
    %swap3A_22 = arith.constant 0 : index
    %swap3A_23 = memref.load %arg2[%swap3A, %swap3A_22] : memref<1x1xf32, #tpu.memory_space<smem>>
    memref.store %mul3A_21, %arg2[%swap3A, %swap3A_22] : memref<1x1xf32, #tpu.memory_space<smem>>
    return
  }
}

</mosaic_0001>

<sc_bundles>
// kernel: kernel.5.cloned.1.call-start
scs
__scs_entry_jumppad:
0x0: {  	(pc) =	sbr.rel $0x88, $3  }
0x1: {  	(tag) =	ssettag $0x0;
	lr =	simm.s32 $0x1  }
0x2: {  	[smem:$0x3F97] =	sst lr;
	_ =	strace $0xD0000000  }
0x3: {  	_ = 	snop  }
0x4: {  	_ = 	snop  }
0x5: {  	_ = 	snop  }
0x6: {  	_ = 	snop  }
0x7: {  	_ = 	snop  }
__scs_overlays_trampoline_lowered:
0x8: {  	[smem:$0x3FA6] =	sst s0  }
0x9: {  	[smem:$0x3FA7] =	sst s1  }
0xa: {  	[smem:$0x3FA8] =	sst s2  }
0xb: {  	[smem:$0x3FA9] =	sst s3  }
0xc: {  	[smem:$0x3FAA] =	sst s4  }
0xd: {  	[smem:$0x3FAB] =	sst s5  }
0xe: {  	[smem:$0x3FAC] =	sst s6  }
0xf: {  	[smem:$0x3FAD] =	sst s7  }
0x10: {  	[smem:$0x3FAE] =	sst s8  }
0x11: {  	[smem:$0x3FAF] =	sst s9;
	s0 =	simm.s32 @!p0 $0x0  }
0x12: {  	s1 =	sld [smem:$0x3F95];
	s0 =	simm.s32 @p0 $0x1  }
0x13: {  	[smem:$0x3FB0] =	sst s0;
	s0 =	simm.s32 @!p1 $0x0  }
0x14: {  	s2 =	sld [smem:$0x3F94];
	s0 =	simm.s32 @p1 $0x1  }
0x15: {  	[smem:$0x3FB1] =	sst s0;
	s0 =	simm.s32 @!p2 $0x0  }
0x16: {  	s3 =	sld [smem:$0x3FDB];
	s0 =	simm.s32 @p2 $0x1  }
0x17: {  	s4 =	simm.s32 $0x1BF5;
	[smem:$0x3FB3] =	sst s0  }
0x18: {  	s0 =	sld [smem:$0x3F96];
	_ =	swait.ge [sflag:s4], $0x0  }
0x19: {  	s7 =	sld [smem:$0x3F97]  }
0x1a: {  	s8 =	sadd.s32 $0xFFFFE003, lr  }
0x1b: {  	s9 =	sadd.s32 $0xFFFFFEF7, lr;
	s5 =	simm.s32 $0xFFFFFFFF;
	p2 =	slt.u32 s8, $0xFFFFF086  }
0x1c: {  	p1 =	slt.u32 s9, $0xF7A;
	s5 =	simm.s32 @!p2 $0x0  }
0x1d: {  	s5 =	simm.s32 @p1 $0x1;
	p0 =	seq.s32 s7, s2  }
0x1e: {  	s7 =	smul.u32 @!p0 $0xF7A, s2;
	p2 =	seq.s32 @!p0 s5, $0x0  }
0x1f: {  	s9 =	smul.u32 $0xF7A, s1;
	s8 =	simm.s32 @!p0 $0x1BF5;
	p2 =	por !p2, p0  }
0x20: {  	[sflag:s8] =	ssyncset.s32 @!p0 $0xFFFFF086;
	s6 =	sadd.s32 @!p0 s3, s7;
	s7 =	simm.s32 @!p0 $0x108  }
0x21: {  	s3 =	sadd.s32 s3, s9;
	s6 =	sadd.s32 @!p0 $0x88, s6;
	s7 =	simm.s32 @p2 $0x1082  }
0x22: {  	[simem:s7], [sflag:s8] =	dma.local @!p0 [hbm:s6], $0xF7A  }
0x23: {  	s9 =	sor.u32 $0xD0000000, s2;
	s6 =	simm.s32 $0x108;
	_ =	swait.ge @!p0 [sflag:s8], $0x0  }
0x24: {  	s3 =	sadd.s32 $0x88, s3;
	s6 =	simm.s32 @!p1 $0x1082;
	[sflag:s4] =	ssyncset.s32 $0xFFFFF086  }
0x25: {  	[simem:s6], [sflag:s4] =	dma.local [hbm:s3], $0xF7A  }
0x26: {  	[smem:$0x3F97] =	sst s1;
	(tag) =	ssettag s2;
	_ =	strace s9  }
0x27: {  	s1 =	sld [smem:$0x3FA7]  }
0x28: {  	s2 =	sld [smem:$0x3FA8]  }
0x29: {  	s4 =	sld [smem:$0x3FAA]  }
0x2a: {  	p0 =	seq.s32 s5, $0x0;
	s5 =	sld [smem:$0x3FAB]  }
0x2b: {  	s6 =	sld [smem:$0x3FAC]  }
0x2c: {  	s7 =	sld [smem:$0x3FAD]  }
0x2d: {  	s3 =	simm.s32 $0x108;
	s8 =	sld [smem:$0x3FAE]  }
0x2e: {  	s3 =	simm.s32 @!p0 $0x1082;
	s9 =	sld [smem:$0x3FAF]  }
0x2f: {  	lr =	sadd.s32 s0, s3;
	s0 =	sld [smem:$0x3FA6]  }
0x30: {  	s3 =	sld [smem:$0x3FA9]  }
0x31: {  	[smem:$0x3FB2] =	sst s10  }
0x32: {  	s10 =	sld [smem:$0x3FB0];
	_ =	sdelay $0x3  }
0x33: {  	p0 =	seq.s32 s10, $0x1;
	s10 =	sld [smem:$0x3FB2];
	_ =	sdelay $0x3  }
0x34: {  	[smem:$0x3FB2] =	sst s10  }
0x35: {  	s10 =	sld [smem:$0x3FB1];
	_ =	sdelay $0x3  }
0x36: {  	p1 =	seq.s32 s10, $0x1;
	s10 =	sld [smem:$0x3FB2];
	_ =	sdelay $0x3  }
0x37: {  	[smem:$0x3FB2] =	sst s10  }
0x38: {  	s10 =	sld [smem:$0x3FB3]  }
0x39: {  	_ = 	snop;
	(pc) =	sbr.ind lr, $3  }
0x3a: {  	_ = 	snop  }
0x3b: {  	_ = 	snop  }
0x3c: {  	p2 =	seq.s32 s10, $0x1;
	s10 =	sld [smem:$0x3FB2]  }
0x3d: {  	_ =	shalt  }
0x3e: {  	_ =	shalt  }
0x3f: {  	_ =	shalt  }
0x40: {  	_ =	shalt  }
0x41: {  	_ =	shalt  }
0x42: {  	_ =	shalt  }
0x43: {  	_ =	shalt  }
0x44: {  	_ =	shalt  }
0x45: {  	_ =	shalt  }
0x46: {  	_ =	shalt  }
0x47: {  	_ =	shalt  }
0x48: {  	_ =	shalt  }
0x49: {  	_ =	shalt  }
0x4a: {  	_ =	shalt  }
0x4b: {  	_ =	shalt  }
0x4c: {  	_ =	shalt  }
0x4d: {  	_ =	shalt  }
0x4e: {  	_ =	shalt  }
0x4f: {  	_ =	shalt  }
0x50: {  	_ =	shalt  }
0x51: {  	_ =	shalt  }
0x52: {  	_ =	shalt  }
0x53: {  	_ =	shalt  }
0x54: {  	_ =	shalt  }
0x55: {  	_ =	shalt  }
0x56: {  	_ =	shalt  }
0x57: {  	_ =	shalt  }
0x58: {  	_ =	shalt  }
0x59: {  	_ =	shalt  }
0x5a: {  	_ =	shalt  }
0x5b: {  	_ =	shalt  }
0x5c: {  	_ =	shalt  }
0x5d: {  	_ =	shalt  }
0x5e: {  	_ =	shalt  }
0x5f: {  	_ =	shalt  }
0x60: {  	_ =	shalt  }
0x61: {  	_ =	shalt  }
0x62: {  	_ =	shalt  }
0x63: {  	_ =	shalt  }
0x64: {  	_ =	shalt  }
0x65: {  	_ =	shalt  }
0x66: {  	_ =	shalt  }
0x67: {  	_ =	shalt  }
0x68: {  	_ =	shalt  }
0x69: {  	_ =	shalt  }
0x6a: {  	_ =	shalt  }
0x6b: {  	_ =	shalt  }
0x6c: {  	_ =	shalt  }
0x6d: {  	_ =	shalt  }
0x6e: {  	_ =	shalt  }
0x6f: {  	_ =	shalt  }
0x70: {  	_ =	shalt  }
0x71: {  	_ =	shalt  }
0x72: {  	_ =	shalt  }
0x73: {  	_ =	shalt  }
0x74: {  	_ =	shalt  }
0x75: {  	_ =	shalt  }
0x76: {  	_ =	shalt  }
0x77: {  	_ =	shalt  }
0x78: {  	_ =	shalt  }
0x79: {  	_ =	shalt  }
0x7a: {  	_ =	shalt  }
0x7b: {  	_ =	shalt  }
0x7c: {  	_ =	shalt  }
0x7d: {  	_ =	shalt  }
0x7e: {  	_ =	shalt  }
0x7f: {  	_ =	shalt  }
0x80: {  	_ =	shalt  }
0x81: {  	_ =	shalt  }
0x82: {  	_ =	shalt  }
0x83: {  	_ =	shalt  }
0x84: {  	_ =	shalt  }
0x85: {  	_ =	shalt  }
0x86: {  	_ =	shalt  }
0x87: {  	_ =	shalt  }
.Lfunc_end0:
.L_simem_size_0:
called_computation_lowered:
.L_overlay_start_0:
0x88: {  	s2 =	sld [smem:$0x3FD9]  }
0x89: {  	s3 =	sld [smem:$0x3FFE];
	_ =	sdelay $0x1  }
0x8a: {  	s1 =	srdreg.scid  }
0x8b: {  	s0 =	sand.u32 $0x1, s1  }
0x8c: {  	s14 =	sshll.u32 s0, $0xA;
	s2 =	sadd.s32 s3, s2  }
0x8d: {  	s2 =	sadd.s32 s2, s14  }
0x8e: {  	[smem:$0x3FBE] =	sst s2  }
0x8f: {  	_ = 	snop  }
0x90: {  	s2 =	sld [smem:$0x3FD0];
	_ =	sdelay $0x2  }
0x91: {  	s15 =	simm.s32 $0xA;
	s4 =	simm.s32 $0x10  }
0x92: {  	[smem:s4], [sflag:s15] =	dma.local [hbm:s2], $0x1  }
0x93: {  	_ =	swait.eq [sflag:s15], $0x1  }
0x94: {  	[sflag:s15] =	ssyncset.done $0x0  }
0x95: {  	s16 =	sld [smem:$0x10];
	[sflag:s15] =	ssyncadd.s32 $0xFFFFFFFF  }
0x96: {  	s17 =	sld [smem:$0x12];
	(tm) =	ssettm $0x1  }
0x97: {  	s18 =	sld [smem:$0x3FFB];
	_ =	sdelay $0x3  }
0x98: {  	_ =	strace s18  }
0x99: {  	s4 =	sld [smem:$0x3FFC];
	_ =	sdelay $0x3  }
0x9a: {  	_ =	strace s4  }
0x9b: {  	s4 =	sld [smem:$0x3FFD];
	_ =	sdelay $0x3  }
0x9c: {  	_ =	strace s4  }
0x9d: {  	_ =	strace $0x8FFFFFFF  }
0x9e: {  	s19 =	sld [smem:$0x3FDB];
	_ =	sdelay $0x1  }
0x9f: {  	s5 =	simm.s32 $_scs_section_size  }
0xa0: {  	s6 =	simm.s32 $_size__tile_overlayer_lowered;
	s7 =	simm.s32 $_tile_overlayer_lowered  }
0xa1: {  	s22 =	simm.s32 $0x1BFF;
	s21 =	sshll.u32 s7, $0x1;
	s4 =	sadd.s32 s5, s19  }
0xa2: {  	s8 =	simm.s32 $0x0;
	s20 =	sshll.u32 s6, $0x1;
	s6 =	sadd.s32 s21, s4  }
0xa3: {  	[timem:s8], [sflag:s22] =	dma.local [hbm:s6], s20  }
0xa4: {  	_ =	swait.ge [sflag:s22], s20  }
0xa5: {  	s5 =	ssub.s32 $0x0, s20;
	[sflag:s22] =	ssyncset.done $0x0  }
0xa6: {  	[sflag:s22] =	ssyncadd.s32 s5;
	_ =	sdelay $0x1  }
0xa7: {  	s23 =	simm.s32 $0x1B8B  }
0xa8: {  	_ =	swait.ge [sflag:s23], $0x1  }
0xa9: {  	[sflag:s23] =	ssyncset.done $0x0  }
0xaa: {  	s25 =	simm.s32 $0x1B8E;
	s24 =	sld [smem:$0x3FFE];
	[sflag:s23] =	ssyncadd.s32 $0xFFFFFFFF  }
0xab: {  	s26 =	simm.s32 $execute0_lowered;
	[smem:$0x3FD2] =	sst s25  }
0xac: {  	s6 =	sshll.u32 s26, $0x1;
	_ =	strace $0x80000046;
	[dreg:$0x1] =	wrdreg $0xFFFFFFFF  }
0xad: {  	s28 =	simm.s32 $_size_execute0_lowered;
	s4 =	sadd.s32 s4, s6;
	[dreg:$0x0] =	wrdreg $0x0  }
0xae: {  	s6 =	sshll.u32 s28, $0x1;
	[dreg:$0x2] =	wrdreg s4  }
0xaf: {  	[dreg:$0x3] =	wrdreg s6  }
0xb0: {  	[dreg:$0x4] =	wrdreg $0xC0  }
0xb1: {  	_ =	task [dreg:s8], $0x5FFFF  }
0xb2: {  	[dreg:$0x1] =	wrdreg $0xFFFFFFFF  }
0xb3: {  	[dreg:$0x0] =	wrdreg $0x60  }
0xb4: {  	[dreg:$0x2] =	wrdreg s24  }
0xb5: {  	[dreg:$0x3] =	wrdreg s16  }
0xb6: {  	[dreg:$0x4] =	wrdreg s17  }
0xb7: {  	[dreg:$0x5] =	wrdreg $0x1E700  }
0xb8: {  	[dreg:$0x6] =	wrdreg $0x9  }
0xb9: {  	_ =	task.clear_ibuf [dreg:s8], $0x7FFFF;
	_ =	strace $0x90000046  }
0xba: {  	s29 =	simm.s32 $0x9;
	_ =	strace $0x80000048  }
0xbb: {  	_ =	swait.ge [sflag:s29], $0x1  }
0xbc: {  	[sflag:s29] =	ssyncadd.s32 $0xFFFFFFFF  }
0xbd: {  	_ =	strace $0x90000048  }
0xbe: {  	_ =	sfence  }
0xbf: {  	s30 =	sld [smem:$0x0];
	_ =	sdelay $0x2  }
0xc0: {  	s31 =	sshll.u32 s1, $0xD;
	s1 =	sshrl.u32 s1, $0x2  }
0xc1: {  	s3 =	sand.u32 $0x4000, s31;
	s1 =	sadd.s32 s1, s30  }
0xc2: {  	s0 =	sor.u32 s3, s0;
	s1 =	sshll.u32 s1, $0x11  }
0xc3: {  	s0 =	sor.u32 s1, s0  }
0xc4: {  	s0 =	sadd.s32 $0x8F2B, s0  }
0xc5: {  	[sflag:s0] =	ssyncadd.remote.s32 $0x1  }
0xc6: {  	_ =	sfence.sel $0xFFFF  }
0xc7: {  	[dreg:$0x0] =	wrdreg $0xFFFFFFFF;
	(pc) =	sbr.abs _section_cstart, $3  }
0xc8: {  	[dreg:$0x1] =	wrdreg $0xFFFFFFFF  }
0xc9: {  	_ =	task.clear_ibuf [dreg:s8], $0x2FFFF;
	_ =	strace $0x9FFFFFFF  }
0xca: {  	(tm) =	ssettm $0x7FFFFFFF  }
0xcb: {  	_ =	shalt  }
tec
execute0_lowered:
.L_overlay_start_1:
0x0: {  	(tag) =	ssettag $0x1  }
0x1: {  	s0 =	rddreg [dreg:$0x0]  }
0x2: {  	s2 =	rddreg [dreg:$0x2]  }
0x3: {  	s3 =	rddreg [dreg:$0x3]  }
0x4: {  	s4 =	simm.s32 $0x0;
	s1 =	srdreg.scid;
	s14 =	stileid.u32  }
0x5: {  	s16 =	simm.s32 $0x3;
	s18 =	simm.s32 $0x50;
	s19 =	simm.s32 $0xA0  }
0x6: {  	s20 =	simm.s32 $0xAA0;
	s21 =	simm.s32 $0x1;
	s22 =	simm.s32 $0x2  }
0x7: {  	s23 =	simm.s32 $0x1CE0;
	s24 =	simm.s32 $0x1D30;
	s25 =	simm.s32 $0x1D80  }
0x8: {  	s26 =	simm.s32 $0x1DD0;
	s28 =	simm.s32 $0x1E20;
	s29 =	simm.s32 $0x0  }
0x9: {  	[smem:$0x7FF] =	sst s4;
	s5 =	sadd.s32 $0xB200, s0;
	s6 =	sadd.s32 $0x1400, s0  }
0xa: {  	s7 =	sadd.s32 $0x1EE00, s0;
	s8 =	sadd.s32 $0x15000, s0;
	s9 =	sadd.s32 $0x28C00, s0  }
0xb: {  	v0 =	vlaneseq.u32;
	s1 =	sand.u32 $0x1, s1;
	s13 =	sshll.u32 s14, $0x1;
	s10 =	sadd.s32 $0x28E00, s0  }
0xc: {  	p0 =	sne.s32 s14, $0x0;
	v0 =	vmul.u32 $0x20, v0;
	s11 =	smul.u32 $0x4E2, s1;
	s12 =	ssub.s32 $0x2, s1  }
0xd: {  	_ =	strace $0x80000047;
	s1 =	sor.u32 s1, s13;
	s15 =	sshrl.u32 s12, $0x1  }
0xe: {  	s14 =	sshrl.u32 @!p0 s3, $0x3;
	v1 =	vor.u32 $0x200, v0;
	s0 =	sadd.s32 s11, s0;
	s31 =	ssub.s32 s12, s15  }
0xf: {  	v2 =	vor.u32 $0x400, v0;
	v3 =	vor.u32 $0x600, v0;
	v4 =	vor.u32 $0x800, v0;
	s11 =	smul.u32 $0x2710, s1;
	s12 =	sadd.s32 $0x29400, s0;
	s13 =	smax.u32 s31, $0x1  }
.LBB2_1:
0x10: {  	s0 =	simm.s32 @!p0 $0x1C03  }
0x11: {  	[spmem:s14], [sflag:s0] =	dma.local @!p0 [hbm:s10], $0x4E2  }
0x12: {  	s0 =	simm.s32 @!p0 $0x3  }
0x13: {  	_ =	swait.ge @!p0 [sflag:s0], $0x4E2  }
0x14: {  	[sflag:s0] =	ssyncset.done @!p0 $0x0  }
0x15: {  	s17 =	simm.s32 $0x14A0;
	[sflag:s0] =	ssyncadd.s32 @!p0 $0xFFFFFB1E  }
0x16: {  	[tilespmem:s17], [sflag:$0x3] =	stream.linear.gather [hbm4b:s9+s4], $0x800, $0x38;
	[tilespmem:$0x20E8] =	vst v63  }
0x17: {  	_ =	swait.ge [sflag:s16], $0x800  }
0x18: {  	[sflag:s16] =	ssyncset.done $0x0  }
0x19: {  	[sflag:s16] =	ssyncadd.s32 $0xFFFFF800  }
0x1a: {  	s1 =	simm.s32 $0x1CA0;
	s31 =	rddreg [dreg:$0x1]  }
0x1b: {  	[tilespmem:s1], [sflag:$0x3] =	stream.linear.gather [hbm4b:s31+s4], $0x40, $0x38;
	[tilespmem:$0x20E8] =	vst v63  }
0x1c: {  	_ =	swait.ge [sflag:s16], $0x40  }
0x1d: {  	[sflag:s16] =	ssyncset.done $0x0  }
0x1e: {  	[sflag:s16] =	ssyncadd.s32 $0xFFFFFFC0  }
0x1f: {  	s30 =	simm.s32 $0x0;
	[bflag:$0x0] =	sbarrier.arrive $0xFFFF  }
.LBB2_2:
0x20: {  	s0 =	smul.u32 $0x50, s30;
	_ =	sdelay $0x1  }
0x21: {  	s0 =	sadd.s32 s11, s0  }
0x22: {  	s31 =	sshrl.u32 s0, $0x3  }
0x23: {  	s1 =	simm.s32 $0x0;
	s0 =	sadd.s32 s7, s31  }
0x24: {  	[tilespmem:s1], [sflag:$0x3] =	stream.linear.gather [hbm4b:s0+s1], $0x50, $0x38;
	[tilespmem:$0x20E8] =	vst v63  }
0x25: {  	_ =	swait.ge [sflag:s16], $0x50  }
0x26: {  	[sflag:s16] =	ssyncset.done $0x0  }
0x27: {  	s17 =	sadd.s32 s8, s31;
	[sflag:s16] =	ssyncadd.s32 $0xFFFFFFB0  }
0x28: {  	[tilespmem:s18], [sflag:$0x3] =	stream.linear.gather [hbm4b:s17+s1], $0x50, $0x38;
	[tilespmem:$0x20E8] =	vst v63  }
0x29: {  	_ =	swait.ge [sflag:s16], $0x50  }
0x2a: {  	[sflag:s16] =	ssyncset.done $0x0  }
0x2b: {  	[sflag:s16] =	ssyncadd.s32 $0xFFFFFFB0  }
0x2c: {  	v5 =	vmov s1;
	[tilespmem:s19], [sflag:$0x1] =	stream.indirect.gather [hbm4b:s5+s18], $0x20, s1, s18, $0xb8;
	[tilespmem:$0x20E8] =	vst v63  }
0x2d: {  	v5 =	vand.u32 $0x1F, v5  }
0x2e: {  	v5 =	vbroadcast v5, $0x0;
	[tilespmem:s20], [sflag:$0x2] =	stream.indirect.gather [hbm4b:s6+s18], $0x20, s18, s18, $0xb8;
	[tilespmem:$0x20E8] =	vst v63  }
0x2f: {  	_ =	swait.ge [sflag:s21], $0xA00  }
0x30: {  	v6 =	vor.u32 v0, v5;
	[sflag:s21] =	ssyncset.done $0x0  }
0x31: {  	v7 =	vor.u32 v3, v5;
	[sflag:s21] =	ssyncadd.s32 $0xFFFFF600  }
0x32: {  	v8 =	vor.u32 v4, v5;
	_ =	swait.ge [sflag:s22], $0xA00  }
0x33: {  	v9 =	vor.u32 v2, v5;
	[sflag:s22] =	ssyncset.done $0x0  }
0x34: {  	[sflag:s22] =	ssyncadd.s32 $0xFFFFF600  }
0x35: {  	v10 =	vld.idx.msk [tilespmem:v6+s19+$0x0], $0xffff  }
0x36: {  	v11 =	vld.idx.msk [tilespmem:v7+s20+$0x0], $0xffff  }
0x37: {  	v12 =	vld.idx.msk [tilespmem:v8+s20+$0x0], $0xffff  }
0x38: {  	v13 =	vld.idx.msk [tilespmem:v9+s19+$0x0], $0xffff  }
0x39: {  	v8 =	vld.idx.msk [tilespmem:v8+s19+$0x0], $0xffff  }
0x3a: {  	v7 =	vld.idx.msk [tilespmem:v7+s19+$0x0], $0xffff  }
0x3b: {  	v6 =	vld.idx.msk [tilespmem:v6+s20+$0x0], $0xffff  }
0x3c: {  	v9 =	vld.idx.msk [tilespmem:v9+s20+$0x0], $0xffff  }
0x3d: {  	s15 =	simm.s32 $0x18A0;
	v5 =	vor.u32 v1, v5  }
0x3e: {  	v20 =	vld [tilespmem:s15+$0xFFFFFC00]  }
0x3f: {  	s17 =	simm.s32 $0x1;
	v17 =	vld [tilespmem:s15+$0x0]  }
0x40: {  	v15 =	vmov s17;
	v18 =	vld [tilespmem:s15+$0x200];
	v8 =	vadd.f32 v12, v8;
	v7 =	vadd.f32 v11, v7  }
0x41: {  	v19 =	vld [tilespmem:s15+$0xFFFFFE00];
	v12 =	vand.u32 $0x1F, v15;
	v6 =	vadd.f32 v6, v10;
	v9 =	vadd.f32 v9, v13  }
0x42: {  	v14 =	vld.idx.msk [tilespmem:v5+s20+$0x0], $0xffff;
	v11 =	vbroadcast v12, $0x0;
	v8 =	vmax.f32 v8, $0.0e+00  }
0x43: {  	v5 =	vld.idx.msk [tilespmem:v5+s19+$0x0], $0xffff;
	v7 =	vmax.f32 v7, $0.0e+00;
	v9 =	vmax.f32 v9, $0.0e+00;
	v29 =	vmax.f32 v6, $0.0e+00  }
0x44: {  	v21 =	vld [tilespmem:$0x1CC0];
	v12 =	vmul.f32 v8, v20;
	v22 =	vor.u32 v0, v11;
	v10 =	vmul.f32 v8, v17  }
0x45: {  	v25 =	vld [tilespmem:$0x1CB0];
	v28 =	vor.u32 v1, v11;
	v36 =	vmul.f32 v9, v17;
	v15 =	vmul.f32 v7, v18  }
0x46: {  	v37 =	vld [tilespmem:$0x1CA0];
	v13 =	vor.u32 v3, v11;
	v6 =	vmul.f32 v8, v19;
	v8 =	vmul.f32 v8, v18  }
0x47: {  	v38 =	vld [tilespmem:$0x1CD0];
	v24 =	vor.u32 v4, v11;
	v40 =	vmul.f32 v29, v19;
	v27 =	vmul.f32 v7, v19  }
0x48: {  	v26 =	vor.u32 v2, v11;
	v41 =	vmul.f32 v9, v19;
	v39 =	vmul.f32 v9, v20  }
0x49: {  	v11 =	vadd.f32 v14, v5;
	v33 =	vmul.f32 v7, v17;
	v44 =	vmul.f32 v29, v17;
	v23 =	vld.idx.msk [tilespmem:v22+s19+$0x0], $0xffff  }
0x4a: {  	v5 =	vadd.f32 v10, v21;
	v10 =	vmul.f32 v7, v20;
	v6 =	vadd.f32 v6, v25;
	v34 =	vld.idx.msk [tilespmem:v28+s20+$0x0], $0xffff  }
0x4b: {  	v30 =	vmax.f32 v11, $0.0e+00;
	v7 =	vadd.f32 v12, v37;
	v11 =	vadd.f32 v27, v25;
	v16 =	vld.idx.msk [tilespmem:v13+s20+$0x0], $0xffff  }
0x4c: {  	v12 =	vadd.f32 v15, v38;
	v8 =	vadd.f32 v8, v38;
	v32 =	vmul.f32 v30, v17;
	v14 =	vld.idx.msk [tilespmem:v24+s20+$0x0], $0xffff  }
0x4d: {  	v31 =	vmul.f32 v30, v18;
	v42 =	vmul.f32 v30, v20;
	v17 =	vadd.f32 v39, v37;
	v35 =	vld.idx.msk [tilespmem:v26+s19+$0x0], $0xffff  }
0x4e: {  	v19 =	vmul.f32 v30, v19;
	v10 =	vadd.f32 v10, v37;
	v15 =	vld.idx.msk [tilespmem:v24+s19+$0x0], $0xffff;
	v30 =	vadd.f32 v32, v21  }
0x4f: {  	v31 =	vadd.f32 v31, v38;
	v27 =	vld.idx.msk [tilespmem:v13+s19+$0x0], $0xffff;
	v32 =	vadd.f32 v42, v37  }
0x50: {  	v13 =	vadd.f32 v33, v21;
	v24 =	vld.idx.msk [tilespmem:v22+s20+$0x0], $0xffff;
	v33 =	vadd.f32 v19, v25;
	v22 =	vmul.f32 v9, v18  }
0x51: {  	s0 =	simm.s32 $0x18B0;
	v42 =	vmul.f32 v29, v18;
	v39 =	vld.idx.msk [tilespmem:v26+s20+$0x0], $0xffff;
	v19 =	vadd.f32 v41, v25;
	v18 =	vadd.f32 v36, v21  }
0x52: {  	s17 =	simm.s32 $0x2;
	s1 =	simm.s32 $0x18B0;
	s15 =	simm.s32 $0x3;
	v43 =	vmul.f32 v29, v20;
	v9 =	vld [tilespmem:s0+$0xFFFFFC00];
	v41 =	vadd.f32 v44, v21;
	v20 =	vadd.f32 v22, v38  }
.LBB2_3:
0x53: {  	p1 =	sne.s32 s15, $0x1F  }
0x54: {  	v21 =	vmov s17;
	v22 =	vld [tilespmem:s0+$0xFFFFFE00];
	v14 =	vadd.f32 v14, v15;
	s1 =	sadd.s32 $0x10, s1;
	v37 =	vadd.f32 v43, v37;
	s17 =	smov.u32 s15;
	s15 =	sadd.s32 $0x1, s15  }
0x55: {  	v16 =	vadd.f32 v16, v27;
	v25 =	vadd.f32 v40, v25;
	v15 =	vand.u32 $0x1F, v21;
	v21 =	vld [tilespmem:s0+$0x0]  }
0x56: {  	v23 =	vadd.f32 v24, v23;
	v15 =	vbroadcast v15, $0x0;
	v26 =	vld [tilespmem:s0+$0x200];
	v14 =	vmax.f32 v14, $0.0e+00;
	s0 =	smov.u32 s1  }
0x57: {  	v38 =	vadd.f32 v42, v38;
	v27 =	vmax.f32 v16, $0.0e+00;
	v24 =	vld.idx.msk [tilespmem:v28+s19+$0x0], $0xffff;
	v29 =	vmul.f32 v14, v9  }
0x58: {  	v16 =	vadd.f32 v39, v35;
	v36 =	vor.u32 v0, v15;
	v28 =	vor.u32 v1, v15  }
0x59: {  	v43 =	vmax.f32 v23, $0.0e+00;
	v39 =	vor.u32 v2, v15;
	v42 =	vor.u32 v3, v15  }
0x5a: {  	v15 =	vor.u32 v4, v15;
	v44 =	vmax.f32 v16, $0.0e+00;
	v16 =	vmul.f32 v14, v21  }
0x5b: {  	v45 =	vmul.f32 v44, v21;
	v46 =	vmul.f32 v27, v26  }
0x5c: {  	v35 =	vmul.f32 v14, v22;
	v47 =	vmul.f32 v14, v26;
	v5 =	vadd.f32 v16, v5  }
0x5d: {  	v40 =	vmul.f32 v43, v22;
	v14 =	vadd.f32 v34, v24;
	v24 =	vmul.f32 v27, v22;
	v23 =	vld.idx.msk [tilespmem:v36+s19+$0x0], $0xffff  }
0x5e: {  	v49 =	vmul.f32 v27, v9;
	v48 =	vmul.f32 v44, v22;
	v6 =	vadd.f32 v35, v6;
	v34 =	vld.idx.msk [tilespmem:v28+s20+$0x0], $0xffff  }
0x5f: {  	v51 =	vmul.f32 v44, v9;
	v52 =	vmul.f32 v27, v21;
	v50 =	vmax.f32 v14, $0.0e+00;
	v16 =	vld.idx.msk [tilespmem:v42+s20+$0x0], $0xffff  }
0x60: {  	v10 =	vadd.f32 v49, v10;
	v7 =	vadd.f32 v29, v7;
	v53 =	vmul.f32 v50, v26;
	v14 =	vld.idx.msk [tilespmem:v15+s20+$0x0], $0xffff  }
0x61: {  	v12 =	vadd.f32 v46, v12;
	v11 =	vadd.f32 v24, v11;
	v29 =	vmul.f32 v50, v21;
	v35 =	vld.idx.msk [tilespmem:v39+s19+$0x0], $0xffff  }
0x62: {  	v8 =	vadd.f32 v47, v8;
	v46 =	vmul.f32 v50, v9;
	v22 =	vmul.f32 v50, v22;
	v15 =	vld.idx.msk [tilespmem:v15+s19+$0x0], $0xffff  }
.Ltmp0:
0x63: {  	v21 =	vmul.f32 v43, v21;
	v30 =	vadd.f32 v29, v30;
	v31 =	vadd.f32 v53, v31;
	v27 =	vld.idx.msk [tilespmem:v42+s19+$0x0], $0xffff;
	(pc) =	sbr.rel @p1 .LBB2_3-.Ltmp0, $4  }
0x64: {  	v13 =	vadd.f32 v52, v13;
	v32 =	vadd.f32 v46, v32;
	v42 =	vmul.f32 v43, v26;
	v24 =	vld.idx.msk [tilespmem:v36+s20+$0x0], $0xffff  }
0x65: {  	v17 =	vadd.f32 v51, v17;
	v33 =	vadd.f32 v22, v33;
	v22 =	vmul.f32 v44, v26;
	v39 =	vld.idx.msk [tilespmem:v39+s20+$0x0], $0xffff  }
0x66: {  	v19 =	vadd.f32 v48, v19;
	v18 =	vadd.f32 v45, v18;
	v43 =	vmul.f32 v43, v9;
	v9 =	vld [tilespmem:s1+$0xFFFFFC00]  }
0x67: {  	v41 =	vadd.f32 v21, v41;
	v20 =	vadd.f32 v22, v20  }
0x68: {  	v21 =	vmov s17  }
0x69: {  	v21 =	vand.u32 $0x1F, v21  }
0x6a: {  	v36 =	vbroadcast v21, $0x0;
	_ =	sdelay $0x1  }
0x6b: {  	v21 =	vor.u32 v0, v36;
	_ =	sdelay $0x1  }
0x6c: {  	v26 =	vld [tilespmem:s0+$0xFFFFFE00]  }
0x6d: {  	v29 =	vld [tilespmem:s0+$0x0]  }
0x6e: {  	v22 =	vld [tilespmem:s0+$0x200]  }
0x6f: {  	v44 =	vld.idx.msk [tilespmem:v21+s19+$0x0], $0xffff  }
0x70: {  	s1 =	sadd.s32 $0x10, s1;
	v45 =	vld.idx.msk [tilespmem:v21+s20+$0x0], $0xffff  }
0x71: {  	v46 =	vadd.f32 v24, v23;
	v23 =	vld [tilespmem:s1+$0xFFFFFE00]  }
0x72: {  	v24 =	vld [tilespmem:s1+$0x0]  }
0x73: {  	v21 =	vld [tilespmem:s1+$0xFFFFFC00]  }
0x74: {  	v37 =	vadd.f32 v43, v37;
	v40 =	vadd.f32 v40, v25;
	v25 =	vld [tilespmem:s1+$0x200];
	v58 =	vmax.f32 v46, $0.0e+00  }
0x75: {  	v47 =	vmul.f32 v58, v9;
	v46 =	vmul.f32 v58, v29;
	v44 =	vadd.f32 v45, v44  }
0x76: {  	v38 =	vadd.f32 v42, v38;
	v59 =	vmul.f32 v58, v26;
	v43 =	vmul.f32 v58, v22  }
0x77: {  	v37 =	vadd.f32 v47, v37;
	v41 =	vadd.f32 v46, v41;
	v44 =	vmax.f32 v44, $0.0e+00  }
0x78: {  	v40 =	vadd.f32 v59, v40;
	v60 =	vmul.f32 v44, v24;
	v61 =	vmul.f32 v44, v21  }
0x79: {  	v38 =	vadd.f32 v43, v38;
	v62 =	vmul.f32 v44, v23;
	v44 =	vmul.f32 v44, v25  }
0x7a: {  	v41 =	vadd.f32 v60, v41;
	v37 =	vadd.f32 v61, v37  }
0x7b: {  	v63 =	vor.u32 v1, v36;
	v40 =	vadd.f32 v62, v40;
	v38 =	vadd.f32 v44, v38  }
0x7c: {  	v28 =	vld.idx.msk [tilespmem:v28+s19+$0x0], $0xffff  }
0x7d: {  	v43 =	vmax.f32 v37, v40;
	v44 =	vmax.f32 v41, v38  }
0x7e: {  	v43 =	vmax.f32 v43, v44  }
0x7f: {  	v37 =	vsub.f32 v37, v43  }
0x80: {  	v48 =	vld.idx.msk [tilespmem:v63+s20+$0x0], $0xffff;
	v40 =	vsub.f32 v40, v43  }
0x81: {  	v28 =	vadd.f32 v34, v28;
	v42 =	vld.idx.msk [tilespmem:v63+s19+$0x0], $0xffff;
	v37 =	vmul.f32 $1.442695020e+00, v37  }
0x82: {  	v41 =	vsub.f32 v41, v43;
	v40 =	vmul.f32 $1.442695020e+00, v40  }
0x83: {  	v28 =	vmax.f32 v28, $0.0e+00;
	(erf) = vpow2.f32 v37  }
0x84: {  	v38 =	vsub.f32 v38, v43;
	v49 =	vmul.f32 $1.442695020e+00, v41;
	(erf) = vpow2.f32 v40  }
0x85: {  	v50 =	vmul.f32 v28, v22;
	v52 =	vmul.f32 v28, v29  }
0x86: {  	v34 =	vadd.f32 v48, v42;
	v51 =	vmul.f32 $1.442695020e+00, v38;
	(erf) = vpow2.f32 v49  }
0x87: {  	v53 =	vmul.f32 v28, v9;
	v28 =	vmul.f32 v28, v26  }
0x88: {  	v30 =	vadd.f32 v52, v30;
	v34 =	vmax.f32 v34, $0.0e+00;
	(erf) = vpow2.f32 v51  }
0x89: {  	v54 =	vadd.f32 v53, v32;
	v55 =	vmul.f32 v34, v25;
	v56 =	vmul.f32 v34, v24  }
0x8a: {  	v28 =	vadd.f32 v28, v33;
	v57 =	vmul.f32 v34, v21;
	v34 =	vmul.f32 v34, v23  }
0x8b: {  	v31 =	vadd.f32 v50, v31  }
0x8c: {  	v33 =	vadd.f32 v57, v54;
	v34 =	vadd.f32 v34, v28;
	v32 =	vpop (erf)  }
0x8d: {  	v38 =	vadd.f32 v56, v30;
	v40 =	vadd.f32 v55, v31;
	v30 =	vpop (erf)  }
0x8e: {  	v58 =	vor.u32 v2, v36;
	v59 =	vadd.f32 v30, v32  }
0x8f: {  	v60 =	vmax.f32 v33, v34;
	v61 =	vmax.f32 v38, v40;
	v28 =	vpop (erf)  }
0x90: {  	v41 =	vmax.f32 v60, v61;
	v62 =	vadd.f32 v59, v28  }
0x91: {  	v33 =	vsub.f32 v33, v41;
	v31 =	vpop (erf)  }
0x92: {  	v34 =	vsub.f32 v34, v41;
	v63 =	vadd.f32 v62, v31  }
0x93: {  	v35 =	vadd.f32 v39, v35;
	v43 =	vld.idx.msk [tilespmem:v58+s19+$0x0], $0xffff;
	v33 =	vmul.f32 $1.442695020e+00, v33  }
0x94: {  	v37 =	vld.idx.msk [tilespmem:v58+s20+$0x0], $0xffff;
	v38 =	vsub.f32 v38, v41;
	v34 =	vmul.f32 $1.442695020e+00, v34;
	(erf) = vrcp.f32 v63  }
0x95: {  	v35 =	vmax.f32 v35, $0.0e+00;
	(erf) = vpow2.f32 v33  }
0x96: {  	v45 =	vsub.f32 v40, v41;
	v44 =	vmul.f32 $1.442695020e+00, v38;
	(erf) = vpow2.f32 v34  }
0x97: {  	v48 =	vmul.f32 v35, v26  }
0x98: {  	v47 =	vmul.f32 $1.442695020e+00, v45;
	(erf) = vpow2.f32 v44  }
0x99: {  	v46 =	vmul.f32 v35, v9;
	v49 =	vmul.f32 v35, v29;
	v37 =	vadd.f32 v37, v43  }
0x9a: {  	v19 =	vadd.f32 v48, v19;
	v54 =	vor.u32 v3, v36;
	(erf) = vpow2.f32 v47  }
0x9b: {  	v50 =	vmul.f32 v35, v22;
	v18 =	vadd.f32 v49, v18;
	v51 =	vmax.f32 v37, $0.0e+00  }
0x9c: {  	v17 =	vadd.f32 v46, v17;
	v52 =	vmul.f32 v51, v23;
	v37 =	vmul.f32 v51, v21  }
0x9d: {  	v53 =	vmul.f32 v51, v24;
	v33 =	vadd.f32 v50, v20;
	v34 =	vmul.f32 v51, v25;
	v20 =	vpop (erf)  }
0x9e: {  	v37 =	vadd.f32 v37, v17;
	v35 =	vadd.f32 v52, v19;
	v19 =	vpop (erf)  }
0x9f: {  	v39 =	vld.idx.msk [tilespmem:v54+s19+$0x0], $0xffff;
	v38 =	vadd.f32 v53, v18;
	v34 =	vadd.f32 v34, v33;
	v18 =	vpop (erf)  }
0xa0: {  	v60 =	vld.idx.msk [tilespmem:v54+s20+$0x0], $0xffff;
	v55 =	vadd.f32 v18, v19  }
0xa1: {  	v56 =	vmax.f32 v37, v35;
	v57 =	vmax.f32 v38, v34;
	v17 =	vpop (erf)  }
0xa2: {  	v40 =	vmax.f32 v56, v57;
	v58 =	vadd.f32 v55, v17  }
0xa3: {  	v37 =	vsub.f32 v37, v40;
	v33 =	vpop (erf)  }
0xa4: {  	v35 =	vsub.f32 v35, v40;
	v59 =	vadd.f32 v58, v33  }
0xa5: {  	v16 =	vadd.f32 v16, v27;
	v27 =	vadd.f32 v60, v39;
	v37 =	vmul.f32 $1.442695020e+00, v37  }
0xa6: {  	v38 =	vsub.f32 v38, v40;
	v35 =	vmul.f32 $1.442695020e+00, v35;
	(erf) = vrcp.f32 v59  }
0xa7: {  	v27 =	vmax.f32 v27, $0.0e+00;
	(erf) = vpow2.f32 v37  }
0xa8: {  	v34 =	vsub.f32 v34, v40;
	v61 =	vmul.f32 $1.442695020e+00, v38;
	(erf) = vpow2.f32 v35  }
0xa9: {  	v41 =	vmul.f32 v27, v23  }
0xaa: {  	v16 =	vmax.f32 v16, $0.0e+00;
	v34 =	vmul.f32 $1.442695020e+00, v34;
	(erf) = vpow2.f32 v61  }
0xab: {  	v42 =	vmul.f32 v27, v21;
	v62 =	vmul.f32 v16, v22  }
0xac: {  	v63 =	vmul.f32 v16, v26;
	(erf) = vpow2.f32 v34  }
0xad: {  	v40 =	vmul.f32 v16, v9;
	v16 =	vmul.f32 v16, v29  }
0xae: {  	v43 =	vmul.f32 v27, v25;
	v12 =	vadd.f32 v62, v12;
	v11 =	vadd.f32 v63, v11  }
0xaf: {  	v27 =	vmul.f32 v27, v24;
	v10 =	vadd.f32 v40, v10;
	v13 =	vadd.f32 v16, v13;
	v37 =	vpop (erf)  }
0xb0: {  	v12 =	vadd.f32 v43, v12;
	v11 =	vadd.f32 v41, v11;
	v34 =	vpop (erf)  }
0xb1: {  	v10 =	vadd.f32 v42, v10;
	v13 =	vadd.f32 v27, v13;
	v16 =	vpop (erf)  }
0xb2: {  	v44 =	vor.u32 v4, v36;
	v45 =	vadd.f32 v16, v34  }
0xb3: {  	v46 =	vmax.f32 v10, v11;
	v47 =	vmax.f32 v13, v12;
	v36 =	vpop (erf)  }
0xb4: {  	v38 =	vmax.f32 v46, v47;
	v35 =	vadd.f32 v45, v36  }
0xb5: {  	v10 =	vsub.f32 v10, v38;
	v39 =	vpop (erf)  }
0xb6: {  	v11 =	vsub.f32 v11, v38;
	v35 =	vadd.f32 v35, v39  }
0xb7: {  	v14 =	vadd.f32 v14, v15;
	v48 =	vld.idx.msk [tilespmem:v44+s20+$0x0], $0xffff;
	v10 =	vmul.f32 $1.442695020e+00, v10  }
0xb8: {  	v27 =	vld.idx.msk [tilespmem:v44+s19+$0x0], $0xffff;
	v13 =	vsub.f32 v13, v38;
	v11 =	vmul.f32 $1.442695020e+00, v11;
	(erf) = vrcp.f32 v35  }
0xb9: {  	v14 =	vmax.f32 v14, $0.0e+00;
	(erf) = vpow2.f32 v10  }
0xba: {  	v50 =	vsub.f32 v12, v38;
	v49 =	vmul.f32 $1.442695020e+00, v13;
	(erf) = vpow2.f32 v11  }
0xbb: {  	v53 =	vmul.f32 v14, v26  }
0xbc: {  	v52 =	vmul.f32 $1.442695020e+00, v50;
	(erf) = vpow2.f32 v49  }
0xbd: {  	v51 =	vmul.f32 v14, v29;
	v54 =	vadd.f32 v48, v27  }
0xbe: {  	v6 =	vadd.f32 v53, v6;
	v56 =	vmul.f32 v14, v22;
	(erf) = vpow2.f32 v52  }
0xbf: {  	v5 =	vadd.f32 v51, v5;
	v55 =	vmul.f32 v14, v9;
	v57 =	vmax.f32 v54, $0.0e+00  }
0xc0: {  	v8 =	vadd.f32 v56, v8;
	v58 =	vmul.f32 v57, v24;
	v59 =	vmul.f32 v57, v23  }
0xc1: {  	v7 =	vadd.f32 v55, v7;
	v60 =	vmul.f32 v57, v21;
	v11 =	vmul.f32 v57, v25;
	v61 =	vpop (erf)  }
0xc2: {  	v5 =	vadd.f32 v58, v5;
	v6 =	vadd.f32 v59, v6;
	v62 =	vpop (erf)  }
0xc3: {  	v7 =	vadd.f32 v60, v7;
	v8 =	vadd.f32 v11, v8;
	v63 =	vpop (erf)  }
0xc4: {  	v24 =	vadd.f32 v63, v62  }
0xc5: {  	v26 =	vmax.f32 v7, v6;
	v27 =	vmax.f32 v5, v8;
	v25 =	vpop (erf)  }
0xc6: {  	v14 =	vmax.f32 v26, v27;
	v11 =	vadd.f32 v24, v25  }
0xc7: {  	v7 =	vsub.f32 v7, v14;
	v29 =	vpop (erf)  }
0xc8: {  	v6 =	vsub.f32 v6, v14;
	v11 =	vadd.f32 v11, v29  }
0xc9: {  	v7 =	vmul.f32 $1.442695020e+00, v7  }
0xca: {  	v5 =	vsub.f32 v5, v14;
	v6 =	vmul.f32 $1.442695020e+00, v6;
	(erf) = vrcp.f32 v11  }
0xcb: {  	(erf) = vpow2.f32 v7  }
0xcc: {  	v5 =	vmul.f32 $1.442695020e+00, v5;
	(erf) = vpow2.f32 v6;
	v6 =	vsub.f32 v8, v14  }
0xcd: {  	v7 =	vadd.f32 v30, v30  }
0xce: {  	(erf) = vpow2.f32 v5;
	v5 =	vmul.f32 $1.442695020e+00, v6  }
0xcf: {  	v6 =	vadd.f32 v7, v32;
	v7 =	vmul.f32 $3.000000000e+00, v28  }
0xd0: {  	(erf) = vpow2.f32 v5  }
0xd1: {  	v6 =	vadd.f32 v6, v7;
	v7 =	vmul.f32 $1.500000000e+00, v31  }
0xd2: {  	v5 =	vmul.f32 v20, v32  }
0xd3: {  	v41 =	vmul.f32 v20, v31;
	v32 =	vpop (erf)  }
0xd4: {  	[tilespmem:$0x1CE0] =	vst v5;
	v5 =	vmul.f32 v20, v28;
	v6 =	vadd.f32 v6, v7;
	v40 =	vpop (erf)  }
0xd5: {  	[tilespmem:$0x1DD0] =	vst v41;
	v42 =	vmul.f32 $3.000000000e+00, v17;
	v38 =	vadd.f32 v18, v18;
	v44 =	vmul.f32 v37, v19;
	v7 =	vpop (erf)  }
0xd6: {  	v47 =	vmul.f32 v37, v17;
	[tilespmem:$0x1D80] =	vst v5;
	v5 =	vmul.f32 v20, v6;
	v6 =	vadd.f32 v7, v40  }
0xd7: {  	v48 =	vmul.f32 v37, v33;
	v46 =	vadd.f32 v16, v16;
	[tilespmem:$0x1CF0] =	vst v44;
	v14 =	vadd.f32 v38, v19;
	v43 =	vpop (erf)  }
0xd8: {  	v50 =	vmul.f32 $3.000000000e+00, v36;
	[tilespmem:$0x1E20] =	vst v5;
	v5 =	vmul.f32 v37, v18;
	v6 =	vadd.f32 v6, v43  }
0xd9: {  	[tilespmem:$0x1D90] =	vst v47;
	v45 =	vmul.f32 $1.500000000e+00, v33;
	v53 =	vmul.f32 $1.500000000e+00, v39;
	v14 =	vadd.f32 v14, v42;
	v49 =	vpop (erf)  }
0xda: {  	v35 =	vmul.f32 v20, v30;
	[tilespmem:$0x1D40] =	vst v5;
	v5 =	vadd.f32 v46, v34;
	v6 =	vadd.f32 v6, v49  }
0xdb: {  	[tilespmem:$0x1DE0] =	vst v48;
	v52 =	vmul.f32 v61, v34;
	v55 =	vmul.f32 v61, v36  }
0xdc: {  	[tilespmem:$0x1D30] =	vst v35;
	v14 =	vadd.f32 v14, v45;
	v5 =	vadd.f32 v5, v50;
	(erf) = vrcp.f32 v6  }
0xdd: {  	v54 =	vadd.f32 v63, v63;
	[tilespmem:$0x1D00] =	vst v52;
	v6 =	vmul.f32 v61, v16  }
0xde: {  	[tilespmem:$0x1DA0] =	vst v55;
	v51 =	vmul.f32 v37, v14;
	v5 =	vadd.f32 v5, v53  }
0xdf: {  	v56 =	vmul.f32 $3.000000000e+00, v25;
	v11 =	vadd.f32 v54, v62;
	[tilespmem:$0x1D50] =	vst v6;
	v6 =	vmul.f32 v61, v39  }
0xe0: {  	[tilespmem:$0x1E30] =	vst v51;
	v5 =	vmul.f32 v61, v5  }
0xe1: {  	v58 =	vmul.f32 $1.500000000e+00, v29;
	v57 =	vadd.f32 v11, v56;
	[tilespmem:$0x1DF0] =	vst v6;
	v6 =	vmul.f32 v32, v62  }
0xe2: {  	v59 =	vadd.f32 v7, v7;
	[tilespmem:$0x1E40] =	vst v5;
	v5 =	vmul.f32 v32, v63  }
0xe3: {  	v9 =	vadd.f32 v57, v58;
	[tilespmem:$0x1D10] =	vst v6;
	v6 =	vmul.f32 v32, v25  }
0xe4: {  	v60 =	vmul.f32 $3.000000000e+00, v43;
	v10 =	vadd.f32 v59, v40;
	[tilespmem:$0x1D60] =	vst v5;
	v5 =	vmul.f32 v32, v29  }
0xe5: {  	[tilespmem:$0x1DB0] =	vst v6;
	v6 =	vmul.f32 v32, v9;
	v61 =	vpop (erf)  }
0xe6: {  	v62 =	vadd.f32 v10, v60;
	v63 =	vmul.f32 $1.500000000e+00, v49;
	[tilespmem:$0x1E00] =	vst v5;
	v5 =	vmul.f32 v61, v40  }
0xe7: {  	[tilespmem:$0x1E50] =	vst v6;
	v6 =	vmul.f32 v61, v7  }
0xe8: {  	v7 =	vadd.f32 v62, v63;
	[tilespmem:$0x1D20] =	vst v5;
	v5 =	vmul.f32 v61, v43  }
0xe9: {  	[tilespmem:$0x1D70] =	vst v6;
	v6 =	vmul.f32 v61, v49  }
0xea: {  	[tilespmem:$0x1DC0] =	vst v5;
	v5 =	vmul.f32 v61, v7  }
0xeb: {  	[tilespmem:$0x1E10] =	vst v6  }
0xec: {  	s15 =	sadd.s32 s2, s31;
	[tilespmem:$0x1E60] =	vst v5  }
0xed: {  	[hbm4b:s15+s4] =	stream.linear.scatter [tilespmem:s23], [sflag:$0x3], $0x50, $0x38;
	[tilespmem:$0x20E8] =	vst v63  }
0xee: {  	_ =	swait.ge [sflag:s16], $0x50  }
0xef: {  	[sflag:s16] =	ssyncset.done $0x0  }
0xf0: {  	s17 =	sadd.s32 $0x9C40, s15;
	[sflag:s16] =	ssyncadd.s32 $0xFFFFFFB0  }
0xf1: {  	[hbm4b:s17+s4] =	stream.linear.scatter [tilespmem:s24], [sflag:$0x3], $0x50, $0x38;
	[tilespmem:$0x20E8] =	vst v63  }
0xf2: {  	_ =	swait.ge [sflag:s16], $0x50  }
0xf3: {  	[sflag:s16] =	ssyncset.done $0x0  }
0xf4: {  	s31 =	sadd.s32 $0x13880, s15;
	[sflag:s16] =	ssyncadd.s32 $0xFFFFFFB0  }
0xf5: {  	[hbm4b:s31+s4] =	stream.linear.scatter [tilespmem:s25], [sflag:$0x3], $0x50, $0x38;
	[tilespmem:$0x20E8] =	vst v63  }
0xf6: {  	_ =	swait.ge [sflag:s16], $0x50  }
0xf7: {  	[sflag:s16] =	ssyncset.done $0x0  }
0xf8: {  	s0 =	sadd.s32 $0x1D4C0, s15;
	[sflag:s16] =	ssyncadd.s32 $0xFFFFFFB0  }
0xf9: {  	[hbm4b:s0+s4] =	stream.linear.scatter [tilespmem:s26], [sflag:$0x3], $0x50, $0x38;
	[tilespmem:$0x20E8] =	vst v63  }
0xfa: {  	s30 =	sadd.s32 $0x1, s30;
	_ =	swait.ge [sflag:s16], $0x50  }
0xfb: {  	p1 =	sne.s32 s30, $0x7D;
	[sflag:s16] =	ssyncset.done $0x0  }
.Ltmp1:
0xfc: {  	[sflag:s16] =	ssyncadd.s32 $0xFFFFFFB0;
	(pc) =	sbr.rel @p1 .LBB2_2-.Ltmp1, $4  }
0xfd: {  	[spmem:s3] =	stream.indirect.scatter.add.f32 [tilespmem:s28], [sflag:$0x3], $0x1, s4, s18, $0xb8;
	[tilespmem:$0x20E8] =	vst v63  }
0xfe: {  	_ =	swait.ge [sflag:s16], $0x50  }
0xff: {  	[sflag:s16] =	ssyncset.done $0x0  }
0x100: {  	[sflag:s16] =	ssyncadd.s32 $0xFFFFFFB0  }
0x101: {  	[bflag:$0x0] =	sbarrier.arrive $0xFFFF;
	s0 =	simm.s32 @!p0 $0x1C03;
	s29 =	sadd.s32 $0x1, s29  }
0x102: {  	[hbm:s12], [sflag:s0] =	dma.local @!p0 [spmem:s14], $0x4E2  }
0x103: {  	p1 =	sne.s32 s29, s13  }
.Ltmp2:
0x104: {  	_ = 	snop;
	(pc) =	sbr.rel @p1 .LBB2_1-.Ltmp2, $4  }
0x105: {  	s0 =	simm.s32 @!p0 $0x3  }
0x106: {  	_ =	swait.ge @!p0 [sflag:s0], $0x4E2  }
0x107: {  	[sflag:s0] =	ssyncset.done @!p0 $0x0  }
0x108: {  	[sflag:s0] =	ssyncadd.s32 @!p0 $0xFFFFFB1E  }
0x109: {  	_ =	sfence.sel $0x180000  }
0x10a: {  	[bflag:$0x0] =	sbarrier.arrive $0xFFFF  }
0x10b: {  	_ =	strace $0x90000047  }
0x10c: {  	[bflag:$0x2] =	sbarrier.arrive $0xFFFF  }
0x10d: {  	s0 =	rddreg [dreg:$0x4]  }
0x10e: {  	s0 =	sadd.s32 @!p0 $0x100000, s0  }
0x10f: {  	[sflag:s0] =	ssyncadd.tile.s32 @!p0 $0x1;
	_ =	shalt  }
.Lfunc_end2:
_tile_overlayer_lowered:
.L_overlay_start_2:
0x110: {  	(tag) =	ssettag $0x2  }
0x111: {  	s0 =	rddreg [dreg:$0x0];
	s2 =	stileid.u32  }
0x112: {  	s1 =	rddreg [dreg:$0x1];
	p0 =	sne.s32 s2, $0x0  }
0x113: {  	s3 =	rddreg [dreg:$0x2];
	[bflag:$0x3] =	sbarrier.arrive $0xFFFF;
	s2 =	simm.s32 @!p0 $0x1C03  }
0x114: {  	[timem:s3], [sflag:s2] =	dma.local @!p0 [hbm:s0], s1  }
0x115: {  	s0 =	simm.s32 @!p0 $0x3  }
0x116: {  	_ =	swait.ge @!p0 [sflag:s0], s1  }
0x117: {  	s1 =	ssub.s32 @!p0 $0x0, s1;
	[sflag:s0] =	ssyncset.done @!p0 $0x0  }
0x118: {  	[sflag:s0] =	ssyncadd.s32 @!p0 s1  }
0x119: {  	[bflag:$0x3] =	sbarrier.arrive $0xFFFF  }
0x11a: {  	_ =	shalt  }

</sc_bundles>
